<compile_context>
chip_gen: v7x
topology: tpu7x:2x2x1
jax: 0.10.2.dev20260603
libtpu: 0.0.44.dev20260713+nightly
codegen_flags: <defaults>
</compile_context>

<pallas_src>
import functools

import jax
import jax.numpy as jnp
from jax import lax
from jax.experimental import pallas as pl
from jax.experimental.pallas import tpu as pltpu
from jax.experimental.pallas import tpu_sc as plsc

_N = 3_200_000
_T = 100_000
_PAD_T = 100_352
_ROWS = _PAD_T // 128
_SROWS = _ROWS // 16
_C = 4000
_PER_TILE = _N // 16
_CHUNKS = _PER_TILE // _C
_LOG_REG_C = 2.5e-5
_LEAF_COEF = 10.0
_CLIP = 10.0


def _sc_segment_sums(qsa_p, pb, edge_out_s, seg_s):
  mesh = plsc.VectorSubcoreMesh(core_axis_name="c", subcore_axis_name="s")

  @functools.partial(
      pl.kernel,
      out_type=jax.ShapeDtypeStruct((2, _ROWS, 128), jnp.float32),
      mesh=mesh,
      scratch_types=[
          pltpu.VMEM((_C,), jnp.float32),
          pltpu.VMEM((_C,), jnp.float32),
          pltpu.VMEM((_C + 16,), jnp.int32),
          pltpu.VMEM((_C + 16,), jnp.int32),
          pltpu.VMEM((_ROWS, 128), jnp.float32),
          pltpu.VMEM((32,), jnp.int32),
          pltpu.VMEM((16,), jnp.int32),
          pltpu.VMEM_SHARED((_ROWS, 128), jnp.float32),
          pltpu.SemaphoreType.DMA,
          pltpu.SemaphoreType.DMA,
      ],
      compiler_params=pltpu.CompilerParams(
          needs_layout_passes=False, use_tc_tiling_on_sc=False),
  )
  def k(qsa_hbm, pb_hbm, eos_hbm, seg_hbm, out_hbm,
        v0, v1, i0, i1, local, bnd, widx, acc, sem0, sem1):
    c = lax.axis_index("c")
    s = lax.axis_index("s")
    base = s * _PER_TILE

    def fetch(vals_hbm, idx_hbm, ci, vslot, islot, sem):
      off = base + ci * _C
      pltpu.async_copy(vals_hbm.at[pl.ds(off, _C)], vslot, sem)
      pltpu.async_copy(idx_hbm.at[pl.ds(off, _C)], islot.at[pl.ds(0, _C)],
                       sem)

    def prologue(vals_hbm, idx_hbm):
      pltpu.sync_copy(idx_hbm.at[pl.ds(base, 16)], bnd.at[pl.ds(0, 16)])
      pltpu.sync_copy(idx_hbm.at[pl.ds(base + _PER_TILE - 16, 16)],
                      bnd.at[pl.ds(16, 16)])
      fetch(vals_hbm, idx_hbm, 0, v0, i0, sem0)
      fetch(vals_hbm, idx_hbm, 1, v1, i1, sem1)

    @pl.when(c == 0)
    def _():
      prologue(qsa_hbm, pb_hbm)

    @pl.when(c == 1)
    def _():
      prologue(eos_hbm, seg_hbm)

    lo = jnp.min(bnd[pl.ds(0, 16)])
    hi = jnp.max(bnd[pl.ds(16, 16)])
    lo_r = lax.shift_right_logical(lo, 7)
    hi_r = lax.shift_right_logical(hi, 7)
    lo_w = lo_r // 16
    hi_w = hi_r // 16

    def zero_body(r, carry):
      for jj in range(8):
        local[r, pl.ds(jj * 16, 16)] = jnp.zeros((16,), jnp.float32)
      return carry

    lax.fori_loop(0, _SROWS, zero_body, 0)
    pltpu.sync_copy(local.at[pl.ds(0, _SROWS)],
                    acc.at[pl.ds(s * _SROWS, _SROWS)])
    lax.fori_loop(lo_w * 16, (hi_w + 1) * 16, zero_body, 0)

    def main_loop(vals_hbm, idx_hbm):
      def wait_fetch(vslot, islot, sem):
        pltpu.make_async_copy(vals_hbm.at[pl.ds(0, _C)], vslot, sem).wait()
        pltpu.make_async_copy(idx_hbm.at[pl.ds(0, _C)],
                              islot.at[pl.ds(0, _C)], sem).wait()

      last_mask = lax.iota(jnp.int32, 16) == 15
      not_last = lax.iota(jnp.int32, 16) < 15

      def accumulate(vslot, islot):
        @plsc.parallel_loop(0, _C // 16, unroll=8)
        def _(j):
          e = jnp.exp(vslot[pl.ds(j * 16, 16)])
          cs = jnp.cumsum(e)
          d = islot[pl.ds(j * 16, 16)]
          sh = islot[pl.ds(j * 16 + 1, 16)]
          m = d != sh
          m_end = jnp.logical_or(m, last_mask)
          m_sub = jnp.logical_and(m, not_last)
          row = lax.shift_right_logical(d, 7)
          col = jnp.bitwise_and(d, 127)
          plsc.addupdate_scatter(local, [row, col], cs, mask=m_end)
          rs = lax.shift_right_logical(sh, 7)
          cl = jnp.bitwise_and(sh, 127)
          plsc.addupdate_scatter(local, [rs, cl], -cs, mask=m_sub)

      def pair_body(k2, carry):
        wait_fetch(v0, i0, sem0)
        accumulate(v0, i0)

        @pl.when(2 * k2 + 2 < _CHUNKS)
        def _():
          fetch(vals_hbm, idx_hbm, 2 * k2 + 2, v0, i0, sem0)

        wait_fetch(v1, i1, sem1)
        accumulate(v1, i1)

        @pl.when(2 * k2 + 3 < _CHUNKS)
        def _():
          fetch(vals_hbm, idx_hbm, 2 * k2 + 3, v1, i1, sem1)

        return carry

      lax.fori_loop(0, _CHUNKS // 2, pair_body, 0)

    @pl.when(c == 0)
    def _():
      main_loop(qsa_hbm, pb_hbm)

    @pl.when(c == 1)
    def _():
      main_loop(eos_hbm, seg_hbm)

    plsc.subcore_barrier()

    def merge_body(w, carry):
      widx[pl.ds(0, 16)] = lax.iota(jnp.int32, 16) + w * 16
      pltpu.sync_copy(local.at[pl.ds(w * 16, 16)], acc.at[widx.at[pl.ds(0, 16)]],
                      add=True)
      return carry

    lo_w = lo_r // 16
    hi_w = hi_r // 16
    lax.fori_loop(lo_w, hi_w + 1, merge_body, 0)
    plsc.subcore_barrier()

    pltpu.sync_copy(acc.at[pl.ds(s * _SROWS, _SROWS)],
                    local.at[pl.ds(0, _SROWS)])

    @pl.when(c == 0)
    def _():
      pltpu.sync_copy(local.at[pl.ds(0, _SROWS)],
                      out_hbm.at[0, pl.ds(s * _SROWS, _SROWS)])

    @pl.when(c == 1)
    def _():
      pltpu.sync_copy(local.at[pl.ds(0, _SROWS)],
                      out_hbm.at[1, pl.ds(s * _SROWS, _SROWS)])

  return k(qsa_p, pb, edge_out_s, seg_s)


def _tc_loss_body(acc_ref, rw_ref, dn_ref, out_ref):
  ei = acc_ref[0]
  eo = acc_ref[1]
  rwv = rw_ref[...]
  dnv = dn_ref[...]
  done_b = (dnv > 0.5).astype(jnp.float32)
  inflow = jnp.log(ei + _LOG_REG_C)
  opr = jnp.log(_LOG_REG_C + rwv + eo * (1.0 - done_b))
  l = (inflow - opr) ** 2
  l = jnp.minimum(l, _CLIP)
  rows, cols = rw_ref.shape
  li = (lax.broadcasted_iota(jnp.int32, (rows, cols), 0) * cols
        + lax.broadcasted_iota(jnp.int32, (rows, cols), 1))
  valid = (li < _T).astype(jnp.float32)
  term_num = jnp.sum(l * done_b)
  term_den = jnp.sum(done_b)
  flow_num = jnp.sum(l * (1.0 - done_b) * valid)
  flow_den = jnp.sum((1.0 - done_b) * valid)
  out_ref[0, 0] = (term_num / (term_den + 1e-20) * _LEAF_COEF
                   + flow_num / (flow_den + 1e-20))


def _tc_loss(acc, reward, done, interpret=False):
  acc3 = acc.reshape(2, _PAD_T // 128, 128)
  pad = _PAD_T - _T
  rw = jnp.pad(reward, (0, pad)).reshape(_PAD_T // 128, 128)
  dn = jnp.pad(done, (0, pad)).reshape(_PAD_T // 128, 128)
  out = pl.pallas_call(
      _tc_loss_body,
      out_shape=jax.ShapeDtypeStruct((1, 1), jnp.float32),
      out_specs=pl.BlockSpec(memory_space=pltpu.MemorySpace.SMEM),
      interpret=interpret,
  )(acc3, rw, dn)
  return out.reshape(())


def kernel(qsa_p, pb, edge_out_s, seg_s, reward, done):
  acc = _sc_segment_sums(qsa_p, pb.astype(jnp.int32),
                         edge_out_s, seg_s.astype(jnp.int32))
  return _tc_loss(acc, reward, done)

# --- scband reference (transcript-rebuilt; emitter-appended) ---
"""Pipeline reference for scband-gflow-explainer-84095459656236 (READ-ONLY COPY).

The authoritative reference and input builder live on the scoring server;
editing this copy changes nothing except your own understanding.
"""

import jax, jax.numpy as jnp
import numpy as np

LOG_REG_C = 2.5e-5
LEAF_COEF = 10.0
CLIP_LOSS = 10.0
BALANCED_LOSS = True
N_TRANSITIONS = 100000
N_PARENT_EDGES = 3200000


def setup_inputs(seed: int = 0) -> dict:
    key = jax.random.key(seed)
    k1, k2, k3, k4, k5, k6 = jax.random.split(key, 6)
    qsa_p = jax.random.uniform(k1, (N_PARENT_EDGES,), dtype=jnp.float32)
    pb = jnp.sort(jax.random.randint(k2, (N_PARENT_EDGES,), 0, N_TRANSITIONS))
    edge_out_s = jax.random.uniform(k3, (N_PARENT_EDGES,), dtype=jnp.float32)
    seg_s = jnp.sort(jax.random.randint(k4, (N_PARENT_EDGES,), 0, N_TRANSITIONS))
    reward = jax.random.uniform(k5, (N_TRANSITIONS,), dtype=jnp.float32)
    done = jax.random.uniform(k6, (N_TRANSITIONS,), dtype=jnp.float32)
    return {"qsa_p": qsa_p, "pb": pb, "edge_out_s": edge_out_s, "seg_s": seg_s, "reward": reward, "done": done}


def reference(qsa_p, pb, edge_out_s, seg_s, reward, done):
    # GFlowNet flow-matching loss (core of GFlowExplainer.train_agent inner step).
    done_b = (done > 0.5).astype(jnp.float32)
    # exp_inflow = zeros(ntransitions).index_add_(0, pb, exp(qsa_p))  -> segment_sum
    exp_inflow = jax.ops.segment_sum(jnp.exp(qsa_p), pb, num_segments=N_TRANSITIONS)
    inflow = jnp.log(exp_inflow + LOG_REG_C)
    # exp_outflow = agent.sum_output(s_graph, exp(edge_out_s), 0)  -> segment_sum over states
    exp_outflow = jax.ops.segment_sum(jnp.exp(edge_out_s), seg_s, num_segments=N_TRANSITIONS)
    outflow_plus_r = jnp.log(LOG_REG_C + reward + exp_outflow * (1.0 - done_b))
    losses = (inflow - outflow_plus_r) ** 2
    if CLIP_LOSS > 0:
        ld = jax.lax.stop_gradient(losses)
        losses = losses / ld * jnp.minimum(ld, CLIP_LOSS)
    term_loss = (losses * done_b).sum() / (done_b.sum() + 1e-20)
    flow_loss = (losses * (1.0 - done_b)).sum() / ((1.0 - done_b).sum() + 1e-20)
    if BALANCED_LOSS:
        loss = term_loss * LEAF_COEF + flow_loss
    else:
        loss = losses.mean()
    return loss

if __name__ == "__main__":
    import jax
    _d = setup_inputs()
    print(jax.jit(kernel)(*tuple(_d.values())))

</pallas_src>

<mosaic_0001>
#map = affine_map<(d0, d1) -> (0)>
#map1 = affine_map<(d0, d1) -> (0, 0, 0)>
module attributes {stable_mosaic.version = 14 : i64} {
  func.func @k(%arg0: i32, %arg1: i32, %arg2: memref<3200000xf32, #tpu.memory_space<hbm>>, %arg3: memref<3200000xi32, #tpu.memory_space<hbm>>, %arg4: memref<3200000xf32, #tpu.memory_space<hbm>>, %arg5: memref<3200000xi32, #tpu.memory_space<hbm>>, %arg6: memref<2x784x128xf32, #tpu.memory_space<hbm>>, %arg7: memref<4000xf32, #tpu.memory_space<vmem>>, %arg8: memref<4000xf32, #tpu.memory_space<vmem>>, %arg9: memref<4016xi32, #tpu.memory_space<vmem>>, %arg10: memref<4016xi32, #tpu.memory_space<vmem>>, %arg11: memref<784x128xf32, #tpu.memory_space<vmem>>, %arg12: memref<32xi32, #tpu.memory_space<vmem>>, %arg13: memref<16xi32, #tpu.memory_space<vmem>>, %arg14: memref<784x128xf32, #tpu.memory_space<vmem_shared>>, %arg15: memref<!tpu.dma_semaphore, #tpu.memory_space<semaphore_mem>>, %arg16: memref<!tpu.dma_semaphore, #tpu.memory_space<semaphore_mem>>) attributes {dimension_semantics = [#tpu.dimension_semantics<core_parallel>, #tpu.dimension_semantics<subcore_parallel>], iteration_bounds = array<i64: 2, 16>, scalar_prefetch = 0 : i64, scratch_operands = 10 : i64, tpu.core_type = #tpu.core_type<sc_vector_subcore>, window_params = [{transform_indices = #map}, {transform_indices = #map}, {transform_indices = #map}, {transform_indices = #map}, {transform_indices = #map1}]} {
    %mul3A = arith.constant 200000 : i32
    %mul3A_0 = arith.muli %arg1, %mul3A : i32
    %eq3A = arith.constant 0 : i32
    %eq3A_1 = arith.cmpi eq, %arg0, %eq3A : i32
    %convert_element_type3A = arith.extui %eq3A_1 : i1 to i32
    %cond3A = arith.constant 0 : i32
    %cond3A_2 = arith.cmpi ne, %convert_element_type3A, %cond3A : i32
    scf.if %cond3A_2 {
      "tpu.region"() ({
        %run_scoped3A = tpu.sem_alloc : memref<!tpu.dma_semaphore, #tpu.memory_space<semaphore_mem>>
        %dma_start3A_193 = arith.constant 0 : i32
        %dma_start3A_194 = tpu.memref_slice %arg12[%dma_start3A_193] : memref<32xi32, #tpu.memory_space<vmem>> -> memref<16xi32, #tpu.memory_space<vmem>>
        %dma_start3A_195 = tpu.memref_slice %arg3[%mul3A_0] : memref<3200000xi32, #tpu.memory_space<hbm>> -> memref<16xi32, #tpu.memory_space<hbm>>
        %dma_start3A_196 = arith.constant 0 : i32
        %dma_start3A_197 = tpu.memref_slice %arg12[%dma_start3A_196] : memref<32xi32, #tpu.memory_space<vmem>> -> memref<16xi32, #tpu.memory_space<vmem>>
        %dma_start3A_198 = tpu.memref_slice %arg3[%mul3A_0] : memref<3200000xi32, #tpu.memory_space<hbm>> -> memref<16xi32, #tpu.memory_space<hbm>>
        tpu.enqueue_dma source(%dma_start3A_198 : memref<16xi32, #tpu.memory_space<hbm>>) target(%dma_start3A_197 : memref<16xi32, #tpu.memory_space<vmem>>) target_semaphore(%run_scoped3A : memref<!tpu.dma_semaphore, #tpu.memory_space<semaphore_mem>>)
        %dma_wait3A = arith.constant 0 : i32
        %dma_wait3A_199 = tpu.memref_slice %arg12[%dma_wait3A] : memref<32xi32, #tpu.memory_space<vmem>> -> memref<16xi32, #tpu.memory_space<vmem>>
        %dma_wait3A_200 = tpu.memref_slice %arg3[%mul3A_0] : memref<3200000xi32, #tpu.memory_space<hbm>> -> memref<16xi32, #tpu.memory_space<hbm>>
        %dma_wait3A_201 = arith.constant 0 : i32
        %dma_wait3A_202 = tpu.memref_slice %arg12[%dma_wait3A_201] : memref<32xi32, #tpu.memory_space<vmem>> -> memref<16xi32, #tpu.memory_space<vmem>>
        %dma_wait3A_203 = tpu.memref_slice %arg3[%mul3A_0] : memref<3200000xi32, #tpu.memory_space<hbm>> -> memref<16xi32, #tpu.memory_space<hbm>>
        tpu.wait_dma2 semaphore(%run_scoped3A : memref<!tpu.dma_semaphore, #tpu.memory_space<semaphore_mem>>) src(%dma_wait3A_203 : memref<16xi32, #tpu.memory_space<hbm>>) dst(%dma_wait3A_202 : memref<16xi32, #tpu.memory_space<vmem>>)
        tpu.yield
      }) : () -> ()
      %add3A_170 = arith.constant 200000 : i32
      %add3A_171 = arith.addi %mul3A_0, %add3A_170 : i32
      %sub3A_172 = arith.constant 16 : i32
      %sub3A_173 = arith.subi %add3A_171, %sub3A_172 : i32
      "tpu.region"() ({
        %run_scoped3A = tpu.sem_alloc : memref<!tpu.dma_semaphore, #tpu.memory_space<semaphore_mem>>
        %dma_start3A_193 = arith.constant 16 : i32
        %dma_start3A_194 = tpu.memref_slice %arg12[%dma_start3A_193] : memref<32xi32, #tpu.memory_space<vmem>> -> memref<16xi32, #tpu.memory_space<vmem>>
        %dma_start3A_195 = tpu.memref_slice %arg3[%sub3A_173] : memref<3200000xi32, #tpu.memory_space<hbm>> -> memref<16xi32, #tpu.memory_space<hbm>>
        %dma_start3A_196 = arith.constant 16 : i32
        %dma_start3A_197 = tpu.memref_slice %arg12[%dma_start3A_196] : memref<32xi32, #tpu.memory_space<vmem>> -> memref<16xi32, #tpu.memory_space<vmem>>
        %dma_start3A_198 = tpu.memref_slice %arg3[%sub3A_173] : memref<3200000xi32, #tpu.memory_space<hbm>> -> memref<16xi32, #tpu.memory_space<hbm>>
        tpu.enqueue_dma source(%dma_start3A_198 : memref<16xi32, #tpu.memory_space<hbm>>) target(%dma_start3A_197 : memref<16xi32, #tpu.memory_space<vmem>>) target_semaphore(%run_scoped3A : memref<!tpu.dma_semaphore, #tpu.memory_space<semaphore_mem>>)
        %dma_wait3A = arith.constant 16 : i32
        %dma_wait3A_199 = tpu.memref_slice %arg12[%dma_wait3A] : memref<32xi32, #tpu.memory_space<vmem>> -> memref<16xi32, #tpu.memory_space<vmem>>
        %dma_wait3A_200 = tpu.memref_slice %arg3[%sub3A_173] : memref<3200000xi32, #tpu.memory_space<hbm>> -> memref<16xi32, #tpu.memory_space<hbm>>
        %dma_wait3A_201 = arith.constant 16 : i32
        %dma_wait3A_202 = tpu.memref_slice %arg12[%dma_wait3A_201] : memref<32xi32, #tpu.memory_space<vmem>> -> memref<16xi32, #tpu.memory_space<vmem>>
        %dma_wait3A_203 = tpu.memref_slice %arg3[%sub3A_173] : memref<3200000xi32, #tpu.memory_space<hbm>> -> memref<16xi32, #tpu.memory_space<hbm>>
        tpu.wait_dma2 semaphore(%run_scoped3A : memref<!tpu.dma_semaphore, #tpu.memory_space<semaphore_mem>>) src(%dma_wait3A_203 : memref<16xi32, #tpu.memory_space<hbm>>) dst(%dma_wait3A_202 : memref<16xi32, #tpu.memory_space<vmem>>)
        tpu.yield
      }) : () -> ()
      %add3A_174 = arith.constant 0 : i32
      %add3A_175 = arith.addi %mul3A_0, %add3A_174 : i32
      %dma_start3A = tpu.memref_slice %arg2[%add3A_175] : memref<3200000xf32, #tpu.memory_space<hbm>> -> memref<4000xf32, #tpu.memory_space<hbm>>
      %dma_start3A_176 = tpu.memref_slice %arg2[%add3A_175] : memref<3200000xf32, #tpu.memory_space<hbm>> -> memref<4000xf32, #tpu.memory_space<hbm>>
      tpu.enqueue_dma source(%dma_start3A_176 : memref<4000xf32, #tpu.memory_space<hbm>>) target(%arg7 : memref<4000xf32, #tpu.memory_space<vmem>>) target_semaphore(%arg15 : memref<!tpu.dma_semaphore, #tpu.memory_space<semaphore_mem>>)
      %dma_start3A_177 = arith.constant 0 : i32
      %dma_start3A_178 = tpu.memref_slice %arg9[%dma_start3A_177] : memref<4016xi32, #tpu.memory_space<vmem>> -> memref<4000xi32, #tpu.memory_space<vmem>>
      %dma_start3A_179 = tpu.memref_slice %arg3[%add3A_175] : memref<3200000xi32, #tpu.memory_space<hbm>> -> memref<4000xi32, #tpu.memory_space<hbm>>
      %dma_start3A_180 = arith.constant 0 : i32
      %dma_start3A_181 = tpu.memref_slice %arg9[%dma_start3A_180] : memref<4016xi32, #tpu.memory_space<vmem>> -> memref<4000xi32, #tpu.memory_space<vmem>>
      %dma_start3A_182 = tpu.memref_slice %arg3[%add3A_175] : memref<3200000xi32, #tpu.memory_space<hbm>> -> memref<4000xi32, #tpu.memory_space<hbm>>
      tpu.enqueue_dma source(%dma_start3A_182 : memref<4000xi32, #tpu.memory_space<hbm>>) target(%dma_start3A_181 : memref<4000xi32, #tpu.memory_space<vmem>>) target_semaphore(%arg15 : memref<!tpu.dma_semaphore, #tpu.memory_space<semaphore_mem>>)
      %add3A_183 = arith.constant 4000 : i32
      %add3A_184 = arith.addi %mul3A_0, %add3A_183 : i32
      %dma_start3A_185 = tpu.memref_slice %arg2[%add3A_184] : memref<3200000xf32, #tpu.memory_space<hbm>> -> memref<4000xf32, #tpu.memory_space<hbm>>
      %dma_start3A_186 = tpu.memref_slice %arg2[%add3A_184] : memref<3200000xf32, #tpu.memory_space<hbm>> -> memref<4000xf32, #tpu.memory_space<hbm>>
      tpu.enqueue_dma source(%dma_start3A_186 : memref<4000xf32, #tpu.memory_space<hbm>>) target(%arg8 : memref<4000xf32, #tpu.memory_space<vmem>>) target_semaphore(%arg16 : memref<!tpu.dma_semaphore, #tpu.memory_space<semaphore_mem>>)
      %dma_start3A_187 = arith.constant 0 : i32
      %dma_start3A_188 = tpu.memref_slice %arg10[%dma_start3A_187] : memref<4016xi32, #tpu.memory_space<vmem>> -> memref<4000xi32, #tpu.memory_space<vmem>>
      %dma_start3A_189 = tpu.memref_slice %arg3[%add3A_184] : memref<3200000xi32, #tpu.memory_space<hbm>> -> memref<4000xi32, #tpu.memory_space<hbm>>
      %dma_start3A_190 = arith.constant 0 : i32
      %dma_start3A_191 = tpu.memref_slice %arg10[%dma_start3A_190] : memref<4016xi32, #tpu.memory_space<vmem>> -> memref<4000xi32, #tpu.memory_space<vmem>>
      %dma_start3A_192 = tpu.memref_slice %arg3[%add3A_184] : memref<3200000xi32, #tpu.memory_space<hbm>> -> memref<4000xi32, #tpu.memory_space<hbm>>
      tpu.enqueue_dma source(%dma_start3A_192 : memref<4000xi32, #tpu.memory_space<hbm>>) target(%dma_start3A_191 : memref<4000xi32, #tpu.memory_space<vmem>>) target_semaphore(%arg16 : memref<!tpu.dma_semaphore, #tpu.memory_space<semaphore_mem>>)
    } else {
    }
    %eq3A_3 = arith.constant 1 : i32
    %eq3A_4 = arith.cmpi eq, %arg0, %eq3A_3 : i32
    %convert_element_type3A_5 = arith.extui %eq3A_4 : i1 to i32
    %cond3A_6 = arith.constant 0 : i32
    %cond3A_7 = arith.cmpi ne, %convert_element_type3A_5, %cond3A_6 : i32
    scf.if %cond3A_7 {
      "tpu.region"() ({
        %run_scoped3A = tpu.sem_alloc : memref<!tpu.dma_semaphore, #tpu.memory_space<semaphore_mem>>
        %dma_start3A_193 = arith.constant 0 : i32
        %dma_start3A_194 = tpu.memref_slice %arg12[%dma_start3A_193] : memref<32xi32, #tpu.memory_space<vmem>> -> memref<16xi32, #tpu.memory_space<vmem>>
        %dma_start3A_195 = tpu.memref_slice %arg5[%mul3A_0] : memref<3200000xi32, #tpu.memory_space<hbm>> -> memref<16xi32, #tpu.memory_space<hbm>>
        %dma_start3A_196 = arith.constant 0 : i32
        %dma_start3A_197 = tpu.memref_slice %arg12[%dma_start3A_196] : memref<32xi32, #tpu.memory_space<vmem>> -> memref<16xi32, #tpu.memory_space<vmem>>
        %dma_start3A_198 = tpu.memref_slice %arg5[%mul3A_0] : memref<3200000xi32, #tpu.memory_space<hbm>> -> memref<16xi32, #tpu.memory_space<hbm>>
        tpu.enqueue_dma source(%dma_start3A_198 : memref<16xi32, #tpu.memory_space<hbm>>) target(%dma_start3A_197 : memref<16xi32, #tpu.memory_space<vmem>>) target_semaphore(%run_scoped3A : memref<!tpu.dma_semaphore, #tpu.memory_space<semaphore_mem>>)
        %dma_wait3A = arith.constant 0 : i32
        %dma_wait3A_199 = tpu.memref_slice %arg12[%dma_wait3A] : memref<32xi32, #tpu.memory_space<vmem>> -> memref<16xi32, #tpu.memory_space<vmem>>
        %dma_wait3A_200 = tpu.memref_slice %arg5[%mul3A_0] : memref<3200000xi32, #tpu.memory_space<hbm>> -> memref<16xi32, #tpu.memory_space<hbm>>
        %dma_wait3A_201 = arith.constant 0 : i32
        %dma_wait3A_202 = tpu.memref_slice %arg12[%dma_wait3A_201] : memref<32xi32, #tpu.memory_space<vmem>> -> memref<16xi32, #tpu.memory_space<vmem>>
        %dma_wait3A_203 = tpu.memref_slice %arg5[%mul3A_0] : memref<3200000xi32, #tpu.memory_space<hbm>> -> memref<16xi32, #tpu.memory_space<hbm>>
        tpu.wait_dma2 semaphore(%run_scoped3A : memref<!tpu.dma_semaphore, #tpu.memory_space<semaphore_mem>>) src(%dma_wait3A_203 : memref<16xi32, #tpu.memory_space<hbm>>) dst(%dma_wait3A_202 : memref<16xi32, #tpu.memory_space<vmem>>)
        tpu.yield
      }) : () -> ()
      %add3A_170 = arith.constant 200000 : i32
      %add3A_171 = arith.addi %mul3A_0, %add3A_170 : i32
      %sub3A_172 = arith.constant 16 : i32
      %sub3A_173 = arith.subi %add3A_171, %sub3A_172 : i32
      "tpu.region"() ({
        %run_scoped3A = tpu.sem_alloc : memref<!tpu.dma_semaphore, #tpu.memory_space<semaphore_mem>>
        %dma_start3A_193 = arith.constant 16 : i32
        %dma_start3A_194 = tpu.memref_slice %arg12[%dma_start3A_193] : memref<32xi32, #tpu.memory_space<vmem>> -> memref<16xi32, #tpu.memory_space<vmem>>
        %dma_start3A_195 = tpu.memref_slice %arg5[%sub3A_173] : memref<3200000xi32, #tpu.memory_space<hbm>> -> memref<16xi32, #tpu.memory_space<hbm>>
        %dma_start3A_196 = arith.constant 16 : i32
        %dma_start3A_197 = tpu.memref_slice %arg12[%dma_start3A_196] : memref<32xi32, #tpu.memory_space<vmem>> -> memref<16xi32, #tpu.memory_space<vmem>>
        %dma_start3A_198 = tpu.memref_slice %arg5[%sub3A_173] : memref<3200000xi32, #tpu.memory_space<hbm>> -> memref<16xi32, #tpu.memory_space<hbm>>
        tpu.enqueue_dma source(%dma_start3A_198 : memref<16xi32, #tpu.memory_space<hbm>>) target(%dma_start3A_197 : memref<16xi32, #tpu.memory_space<vmem>>) target_semaphore(%run_scoped3A : memref<!tpu.dma_semaphore, #tpu.memory_space<semaphore_mem>>)
        %dma_wait3A = arith.constant 16 : i32
        %dma_wait3A_199 = tpu.memref_slice %arg12[%dma_wait3A] : memref<32xi32, #tpu.memory_space<vmem>> -> memref<16xi32, #tpu.memory_space<vmem>>
        %dma_wait3A_200 = tpu.memref_slice %arg5[%sub3A_173] : memref<3200000xi32, #tpu.memory_space<hbm>> -> memref<16xi32, #tpu.memory_space<hbm>>
        %dma_wait3A_201 = arith.constant 16 : i32
        %dma_wait3A_202 = tpu.memref_slice %arg12[%dma_wait3A_201] : memref<32xi32, #tpu.memory_space<vmem>> -> memref<16xi32, #tpu.memory_space<vmem>>
        %dma_wait3A_203 = tpu.memref_slice %arg5[%sub3A_173] : memref<3200000xi32, #tpu.memory_space<hbm>> -> memref<16xi32, #tpu.memory_space<hbm>>
        tpu.wait_dma2 semaphore(%run_scoped3A : memref<!tpu.dma_semaphore, #tpu.memory_space<semaphore_mem>>) src(%dma_wait3A_203 : memref<16xi32, #tpu.memory_space<hbm>>) dst(%dma_wait3A_202 : memref<16xi32, #tpu.memory_space<vmem>>)
        tpu.yield
      }) : () -> ()
      %add3A_174 = arith.constant 0 : i32
      %add3A_175 = arith.addi %mul3A_0, %add3A_174 : i32
      %dma_start3A = tpu.memref_slice %arg4[%add3A_175] : memref<3200000xf32, #tpu.memory_space<hbm>> -> memref<4000xf32, #tpu.memory_space<hbm>>
      %dma_start3A_176 = tpu.memref_slice %arg4[%add3A_175] : memref<3200000xf32, #tpu.memory_space<hbm>> -> memref<4000xf32, #tpu.memory_space<hbm>>
      tpu.enqueue_dma source(%dma_start3A_176 : memref<4000xf32, #tpu.memory_space<hbm>>) target(%arg7 : memref<4000xf32, #tpu.memory_space<vmem>>) target_semaphore(%arg15 : memref<!tpu.dma_semaphore, #tpu.memory_space<semaphore_mem>>)
      %dma_start3A_177 = arith.constant 0 : i32
      %dma_start3A_178 = tpu.memref_slice %arg9[%dma_start3A_177] : memref<4016xi32, #tpu.memory_space<vmem>> -> memref<4000xi32, #tpu.memory_space<vmem>>
      %dma_start3A_179 = tpu.memref_slice %arg5[%add3A_175] : memref<3200000xi32, #tpu.memory_space<hbm>> -> memref<4000xi32, #tpu.memory_space<hbm>>
      %dma_start3A_180 = arith.constant 0 : i32
      %dma_start3A_181 = tpu.memref_slice %arg9[%dma_start3A_180] : memref<4016xi32, #tpu.memory_space<vmem>> -> memref<4000xi32, #tpu.memory_space<vmem>>
      %dma_start3A_182 = tpu.memref_slice %arg5[%add3A_175] : memref<3200000xi32, #tpu.memory_space<hbm>> -> memref<4000xi32, #tpu.memory_space<hbm>>
      tpu.enqueue_dma source(%dma_start3A_182 : memref<4000xi32, #tpu.memory_space<hbm>>) target(%dma_start3A_181 : memref<4000xi32, #tpu.memory_space<vmem>>) target_semaphore(%arg15 : memref<!tpu.dma_semaphore, #tpu.memory_space<semaphore_mem>>)
      %add3A_183 = arith.constant 4000 : i32
      %add3A_184 = arith.addi %mul3A_0, %add3A_183 : i32
      %dma_start3A_185 = tpu.memref_slice %arg4[%add3A_184] : memref<3200000xf32, #tpu.memory_space<hbm>> -> memref<4000xf32, #tpu.memory_space<hbm>>
      %dma_start3A_186 = tpu.memref_slice %arg4[%add3A_184] : memref<3200000xf32, #tpu.memory_space<hbm>> -> memref<4000xf32, #tpu.memory_space<hbm>>
      tpu.enqueue_dma source(%dma_start3A_186 : memref<4000xf32, #tpu.memory_space<hbm>>) target(%arg8 : memref<4000xf32, #tpu.memory_space<vmem>>) target_semaphore(%arg16 : memref<!tpu.dma_semaphore, #tpu.memory_space<semaphore_mem>>)
      %dma_start3A_187 = arith.constant 0 : i32
      %dma_start3A_188 = tpu.memref_slice %arg10[%dma_start3A_187] : memref<4016xi32, #tpu.memory_space<vmem>> -> memref<4000xi32, #tpu.memory_space<vmem>>
      %dma_start3A_189 = tpu.memref_slice %arg5[%add3A_184] : memref<3200000xi32, #tpu.memory_space<hbm>> -> memref<4000xi32, #tpu.memory_space<hbm>>
      %dma_start3A_190 = arith.constant 0 : i32
      %dma_start3A_191 = tpu.memref_slice %arg10[%dma_start3A_190] : memref<4016xi32, #tpu.memory_space<vmem>> -> memref<4000xi32, #tpu.memory_space<vmem>>
      %dma_start3A_192 = tpu.memref_slice %arg5[%add3A_184] : memref<3200000xi32, #tpu.memory_space<hbm>> -> memref<4000xi32, #tpu.memory_space<hbm>>
      tpu.enqueue_dma source(%dma_start3A_192 : memref<4000xi32, #tpu.memory_space<hbm>>) target(%dma_start3A_191 : memref<4000xi32, #tpu.memory_space<vmem>>) target_semaphore(%arg16 : memref<!tpu.dma_semaphore, #tpu.memory_space<semaphore_mem>>)
    } else {
    }
    %get3A = arith.constant 0 : index
    %get3A_8 = tpu.vector_load %arg12[%get3A] {strides = array<i32>} : memref<32xi32, #tpu.memory_space<vmem>>, vector<16xi32>,
    %reduce_min3A = arith.constant true
    %reduce_min3A_9 = vector.broadcast %reduce_min3A : i1 to vector<16xi1>
    %reduce_min3A_10 = arith.constant -2147483648 : i32
    %reduce_min3A_11 = vector.broadcast %reduce_min3A_10 : i32 to vector<16xi32>
    %reduce_min3A_12 = arith.xori %get3A_8, %reduce_min3A_11 : vector<16xi32>
    %reduce_min3A_13 = tpu.scan <min>, %reduce_min3A_12 masked %reduce_min3A_9 : vector<16xi32>, vector<16xi1> -> vector<16xi32>
    %reduce_min3A_14 = arith.xori %reduce_min3A_13, %reduce_min3A_11 : vector<16xi32>
    %reduce_min3A_15 = vector.extract %reduce_min3A_14[15] : i32 from vector<16xi32>
    %get3A_16 = arith.constant 16 : index
    %get3A_17 = tpu.vector_load %arg12[%get3A_16] {strides = array<i32>} : memref<32xi32, #tpu.memory_space<vmem>>, vector<16xi32>,
    %reduce_max3A = arith.constant true
    %reduce_max3A_18 = vector.broadcast %reduce_max3A : i1 to vector<16xi1>
    %reduce_max3A_19 = arith.constant -2147483648 : i32
    %reduce_max3A_20 = vector.broadcast %reduce_max3A_19 : i32 to vector<16xi32>
    %reduce_max3A_21 = arith.xori %get3A_17, %reduce_max3A_20 : vector<16xi32>
    %reduce_max3A_22 = tpu.scan <max>, %reduce_max3A_21 masked %reduce_max3A_18 : vector<16xi32>, vector<16xi1> -> vector<16xi32>
    %reduce_max3A_23 = arith.xori %reduce_max3A_22, %reduce_max3A_20 : vector<16xi32>
    %reduce_max3A_24 = vector.extract %reduce_max3A_23[15] : i32 from vector<16xi32>
    %shift_right_logical3A = arith.constant 7 : i32
    %shift_right_logical3A_25 = arith.shrui %reduce_min3A_15, %shift_right_logical3A : i32
    %shift_right_logical3A_26 = arith.constant 7 : i32
    %shift_right_logical3A_27 = arith.shrui %reduce_max3A_24, %shift_right_logical3A_26 : i32
    %jit3A = arith.constant 16 : i32
    %div3A = arith.divsi %shift_right_logical3A_25, %jit3A : i32
    %sign3A = arith.constant 0 : i32
    %sign3A_28 = arith.cmpi sgt, %shift_right_logical3A_25, %sign3A : i32
    %sign3A_29 = arith.extui %sign3A_28 : i1 to i32
    %sign3A_30 = arith.constant 0 : i32
    %sign3A_31 = arith.cmpi slt, %shift_right_logical3A_25, %sign3A_30 : i32
    %sign3A_32 = arith.extui %sign3A_31 : i1 to i32
    %sign3A_33 = arith.subi %sign3A_29, %sign3A_32 : i32
    %sign3A_34 = arith.constant 0 : i32
    %sign3A_35 = arith.cmpi sgt, %jit3A, %sign3A_34 : i32
    %sign3A_36 = arith.extui %sign3A_35 : i1 to i32
    %sign3A_37 = arith.constant 0 : i32
    %sign3A_38 = arith.cmpi slt, %jit3A, %sign3A_37 : i32
    %sign3A_39 = arith.extui %sign3A_38 : i1 to i32
    %sign3A_40 = arith.subi %sign3A_36, %sign3A_39 : i32
    %ne3A = arith.cmpi ne, %sign3A_33, %sign3A_40 : i32
    %rem3A = arith.remsi %shift_right_logical3A_25, %jit3A : i32
    %ne3A_41 = arith.constant 0 : i32
    %ne3A_42 = arith.cmpi ne, %rem3A, %ne3A_41 : i32
    %and3A = arith.andi %ne3A, %ne3A_42 : i1
    %sub3A = arith.constant 1 : i32
    %sub3A_43 = arith.subi %div3A, %sub3A : i32
    %select_n3A = arith.select %and3A, %sub3A_43, %div3A : i32
    %jit3A_44 = arith.constant 16 : i32
    %div3A_45 = arith.divsi %shift_right_logical3A_27, %jit3A_44 : i32
    %sign3A_46 = arith.constant 0 : i32
    %sign3A_47 = arith.cmpi sgt, %shift_right_logical3A_27, %sign3A_46 : i32
    %sign3A_48 = arith.extui %sign3A_47 : i1 to i32
    %sign3A_49 = arith.constant 0 : i32
    %sign3A_50 = arith.cmpi slt, %shift_right_logical3A_27, %sign3A_49 : i32
    %sign3A_51 = arith.extui %sign3A_50 : i1 to i32
    %sign3A_52 = arith.subi %sign3A_48, %sign3A_51 : i32
    %sign3A_53 = arith.constant 0 : i32
    %sign3A_54 = arith.cmpi sgt, %jit3A_44, %sign3A_53 : i32
    %sign3A_55 = arith.extui %sign3A_54 : i1 to i32
    %sign3A_56 = arith.constant 0 : i32
    %sign3A_57 = arith.cmpi slt, %jit3A_44, %sign3A_56 : i32
    %sign3A_58 = arith.extui %sign3A_57 : i1 to i32
    %sign3A_59 = arith.subi %sign3A_55, %sign3A_58 : i32
    %ne3A_60 = arith.cmpi ne, %sign3A_52, %sign3A_59 : i32
    %rem3A_61 = arith.remsi %shift_right_logical3A_27, %jit3A_44 : i32
    %ne3A_62 = arith.constant 0 : i32
    %ne3A_63 = arith.cmpi ne, %rem3A_61, %ne3A_62 : i32
    %and3A_64 = arith.andi %ne3A_60, %ne3A_63 : i1
    %sub3A_65 = arith.constant 1 : i32
    %sub3A_66 = arith.subi %div3A_45, %sub3A_65 : i32
    %select_n3A_67 = arith.select %and3A_64, %sub3A_66, %div3A_45 : i32
    %scan3A = arith.constant 0 : i32
    %scan3A_68 = arith.constant 0 : i32
    %scan3A_69 = arith.constant 49 : i32
    %scan3A_70 = arith.addi %scan3A_68, %scan3A_69 : i32
    %scan3A_71 = arith.constant 1 : i32
    scf.for %scan3A_170 = %scan3A_68 to %scan3A_70 step %scan3A_71  : i32 {
      %broadcast_in_dim3A = arith.constant 0.000000e+00 : f32
      %broadcast_in_dim3A_171 = vector.broadcast %broadcast_in_dim3A : f32 to vector<16xf32>
      %swap3A = arith.index_cast %scan3A_170 : i32 to index
      %swap3A_172 = arith.constant 0 : index
      %swap3A_173 = tpu.vector_load %arg11[%swap3A, %swap3A_172] {strides = array<i32>} : memref<784x128xf32, #tpu.memory_space<vmem>>, vector<16xf32>,
      tpu.vector_store %arg11[%swap3A, %swap3A_172], %broadcast_in_dim3A_171 {strides = array<i32>} : memref<784x128xf32, #tpu.memory_space<vmem>>, vector<16xf32>,
      %broadcast_in_dim3A_174 = arith.constant 0.000000e+00 : f32
      %broadcast_in_dim3A_175 = vector.broadcast %broadcast_in_dim3A_174 : f32 to vector<16xf32>
      %swap3A_176 = arith.index_cast %scan3A_170 : i32 to index
      %swap3A_177 = arith.constant 16 : index
      %swap3A_178 = tpu.vector_load %arg11[%swap3A_176, %swap3A_177] {strides = array<i32>} : memref<784x128xf32, #tpu.memory_space<vmem>>, vector<16xf32>,
      tpu.vector_store %arg11[%swap3A_176, %swap3A_177], %broadcast_in_dim3A_175 {strides = array<i32>} : memref<784x128xf32, #tpu.memory_space<vmem>>, vector<16xf32>,
      %broadcast_in_dim3A_179 = arith.constant 0.000000e+00 : f32
      %broadcast_in_dim3A_180 = vector.broadcast %broadcast_in_dim3A_179 : f32 to vector<16xf32>
      %swap3A_181 = arith.index_cast %scan3A_170 : i32 to index
      %swap3A_182 = arith.constant 32 : index
      %swap3A_183 = tpu.vector_load %arg11[%swap3A_181, %swap3A_182] {strides = array<i32>} : memref<784x128xf32, #tpu.memory_space<vmem>>, vector<16xf32>,
      tpu.vector_store %arg11[%swap3A_181, %swap3A_182], %broadcast_in_dim3A_180 {strides = array<i32>} : memref<784x128xf32, #tpu.memory_space<vmem>>, vector<16xf32>,
      %broadcast_in_dim3A_184 = arith.constant 0.000000e+00 : f32
      %broadcast_in_dim3A_185 = vector.broadcast %broadcast_in_dim3A_184 : f32 to vector<16xf32>
      %swap3A_186 = arith.index_cast %scan3A_170 : i32 to index
      %swap3A_187 = arith.constant 48 : index
      %swap3A_188 = tpu.vector_load %arg11[%swap3A_186, %swap3A_187] {strides = array<i32>} : memref<784x128xf32, #tpu.memory_space<vmem>>, vector<16xf32>,
      tpu.vector_store %arg11[%swap3A_186, %swap3A_187], %broadcast_in_dim3A_185 {strides = array<i32>} : memref<784x128xf32, #tpu.memory_space<vmem>>, vector<16xf32>,
      %broadcast_in_dim3A_189 = arith.constant 0.000000e+00 : f32
      %broadcast_in_dim3A_190 = vector.broadcast %broadcast_in_dim3A_189 : f32 to vector<16xf32>
      %swap3A_191 = arith.index_cast %scan3A_170 : i32 to index
      %swap3A_192 = arith.constant 64 : index
      %swap3A_193 = tpu.vector_load %arg11[%swap3A_191, %swap3A_192] {strides = array<i32>} : memref<784x128xf32, #tpu.memory_space<vmem>>, vector<16xf32>,
      tpu.vector_store %arg11[%swap3A_191, %swap3A_192], %broadcast_in_dim3A_190 {strides = array<i32>} : memref<784x128xf32, #tpu.memory_space<vmem>>, vector<16xf32>,
      %broadcast_in_dim3A_194 = arith.constant 0.000000e+00 : f32
      %broadcast_in_dim3A_195 = vector.broadcast %broadcast_in_dim3A_194 : f32 to vector<16xf32>
      %swap3A_196 = arith.index_cast %scan3A_170 : i32 to index
      %swap3A_197 = arith.constant 80 : index
      %swap3A_198 = tpu.vector_load %arg11[%swap3A_196, %swap3A_197] {strides = array<i32>} : memref<784x128xf32, #tpu.memory_space<vmem>>, vector<16xf32>,
      tpu.vector_store %arg11[%swap3A_196, %swap3A_197], %broadcast_in_dim3A_195 {strides = array<i32>} : memref<784x128xf32, #tpu.memory_space<vmem>>, vector<16xf32>,
      %broadcast_in_dim3A_199 = arith.constant 0.000000e+00 : f32
      %broadcast_in_dim3A_200 = vector.broadcast %broadcast_in_dim3A_199 : f32 to vector<16xf32>
      %swap3A_201 = arith.index_cast %scan3A_170 : i32 to index
      %swap3A_202 = arith.constant 96 : index
      %swap3A_203 = tpu.vector_load %arg11[%swap3A_201, %swap3A_202] {strides = array<i32>} : memref<784x128xf32, #tpu.memory_space<vmem>>, vector<16xf32>,
      tpu.vector_store %arg11[%swap3A_201, %swap3A_202], %broadcast_in_dim3A_200 {strides = array<i32>} : memref<784x128xf32, #tpu.memory_space<vmem>>, vector<16xf32>,
      %broadcast_in_dim3A_204 = arith.constant 0.000000e+00 : f32
      %broadcast_in_dim3A_205 = vector.broadcast %broadcast_in_dim3A_204 : f32 to vector<16xf32>
      %swap3A_206 = arith.index_cast %scan3A_170 : i32 to index
      %swap3A_207 = arith.constant 112 : index
      %swap3A_208 = tpu.vector_load %arg11[%swap3A_206, %swap3A_207] {strides = array<i32>} : memref<784x128xf32, #tpu.memory_space<vmem>>, vector<16xf32>,
      tpu.vector_store %arg11[%swap3A_206, %swap3A_207], %broadcast_in_dim3A_205 {strides = array<i32>} : memref<784x128xf32, #tpu.memory_space<vmem>>, vector<16xf32>,
    }
    %scan3A_72 = arith.constant 49 : i32
    %mul3A_73 = arith.constant 49 : i32
    %mul3A_74 = arith.muli %arg1, %mul3A_73 : i32
    "tpu.region"() ({
      %run_scoped3A = tpu.sem_alloc : memref<!tpu.dma_semaphore, #tpu.memory_space<semaphore_mem>>
      %dma_start3A = arith.constant 0 : i32
      %dma_start3A_170 = arith.constant 0 : i32
      %dma_start3A_171 = tpu.memref_slice %arg11[%dma_start3A, %dma_start3A_170] : memref<784x128xf32, #tpu.memory_space<vmem>> -> memref<49x128xf32, #tpu.memory_space<vmem>>
      %dma_start3A_172 = arith.constant 0 : i32
      %dma_start3A_173 = tpu.memref_slice %arg14[%mul3A_74, %dma_start3A_172] : memref<784x128xf32, #tpu.memory_space<vmem_shared>> -> memref<49x128xf32, #tpu.memory_space<vmem_shared>>
      %dma_start3A_174 = arith.constant 0 : i32
      %dma_start3A_175 = tpu.memref_slice %arg14[%mul3A_74, %dma_start3A_174] : memref<784x128xf32, #tpu.memory_space<vmem_shared>> -> memref<49x128xf32, #tpu.memory_space<vmem_shared>>
      %dma_start3A_176 = arith.constant 0 : i32
      %dma_start3A_177 = arith.constant 0 : i32
      %dma_start3A_178 = tpu.memref_slice %arg11[%dma_start3A_176, %dma_start3A_177] : memref<784x128xf32, #tpu.memory_space<vmem>> -> memref<49x128xf32, #tpu.memory_space<vmem>>
      tpu.enqueue_dma source(%dma_start3A_178 : memref<49x128xf32, #tpu.memory_space<vmem>>) target(%dma_start3A_175 : memref<49x128xf32, #tpu.memory_space<vmem_shared>>) target_semaphore(%run_scoped3A : memref<!tpu.dma_semaphore, #tpu.memory_space<semaphore_mem>>)
      %dma_wait3A = arith.constant 0 : i32
      %dma_wait3A_179 = arith.constant 0 : i32
      %dma_wait3A_180 = tpu.memref_slice %arg11[%dma_wait3A, %dma_wait3A_179] : memref<784x128xf32, #tpu.memory_space<vmem>> -> memref<49x128xf32, #tpu.memory_space<vmem>>
      %dma_wait3A_181 = arith.constant 0 : i32
      %dma_wait3A_182 = tpu.memref_slice %arg14[%mul3A_74, %dma_wait3A_181] : memref<784x128xf32, #tpu.memory_space<vmem_shared>> -> memref<49x128xf32, #tpu.memory_space<vmem_shared>>
      %dma_wait3A_183 = arith.constant 0 : i32
      %dma_wait3A_184 = tpu.memref_slice %arg14[%mul3A_74, %dma_wait3A_183] : memref<784x128xf32, #tpu.memory_space<vmem_shared>> -> memref<49x128xf32, #tpu.memory_space<vmem_shared>>
      %dma_wait3A_185 = arith.constant 0 : i32
      %dma_wait3A_186 = arith.constant 0 : i32
      %dma_wait3A_187 = tpu.memref_slice %arg11[%dma_wait3A_185, %dma_wait3A_186] : memref<784x128xf32, #tpu.memory_space<vmem>> -> memref<49x128xf32, #tpu.memory_space<vmem>>
      tpu.wait_dma2 semaphore(%run_scoped3A : memref<!tpu.dma_semaphore, #tpu.memory_space<semaphore_mem>>) src(%dma_wait3A_187 : memref<49x128xf32, #tpu.memory_space<vmem>>) dst(%dma_wait3A_184 : memref<49x128xf32, #tpu.memory_space<vmem_shared>>)
      tpu.yield
    }) : () -> ()
    %mul3A_75 = arith.constant 16 : i32
    %mul3A_76 = arith.muli %select_n3A, %mul3A_75 : i32
    %add3A = arith.constant 1 : i32
    %add3A_77 = arith.addi %select_n3A_67, %add3A : i32
    %mul3A_78 = arith.constant 16 : i32
    %mul3A_79 = arith.muli %add3A_77, %mul3A_78 : i32
    %while3A = arith.constant 0 : i32
    %while3A_80 = arith.subi %mul3A_79, %mul3A_76 : i32
    %while3A_81 = arith.addi %mul3A_76, %while3A_80 : i32
    %while3A_82 = arith.constant 1 : i32
    %while3A_83 = arith.divsi %while3A_80, %while3A_82 : i32
    %while3A_84 = arith.muli %while3A_83, %while3A_82 : i32
    %while3A_85 = arith.addi %mul3A_76, %while3A_84 : i32
    %while3A_86 = arith.constant 1 : i32
    scf.for %while3A_170 = %mul3A_76 to %while3A_85 step %while3A_86  : i32 {
      %broadcast_in_dim3A = arith.constant 0.000000e+00 : f32
      %broadcast_in_dim3A_171 = vector.broadcast %broadcast_in_dim3A : f32 to vector<16xf32>
      %swap3A = arith.index_cast %while3A_170 : i32 to index
      %swap3A_172 = arith.constant 0 : index
      %swap3A_173 = tpu.vector_load %arg11[%swap3A, %swap3A_172] {strides = array<i32>} : memref<784x128xf32, #tpu.memory_space<vmem>>, vector<16xf32>,
      tpu.vector_store %arg11[%swap3A, %swap3A_172], %broadcast_in_dim3A_171 {strides = array<i32>} : memref<784x128xf32, #tpu.memory_space<vmem>>, vector<16xf32>,
      %broadcast_in_dim3A_174 = arith.constant 0.000000e+00 : f32
      %broadcast_in_dim3A_175 = vector.broadcast %broadcast_in_dim3A_174 : f32 to vector<16xf32>
      %swap3A_176 = arith.index_cast %while3A_170 : i32 to index
      %swap3A_177 = arith.constant 16 : index
      %swap3A_178 = tpu.vector_load %arg11[%swap3A_176, %swap3A_177] {strides = array<i32>} : memref<784x128xf32, #tpu.memory_space<vmem>>, vector<16xf32>,
      tpu.vector_store %arg11[%swap3A_176, %swap3A_177], %broadcast_in_dim3A_175 {strides = array<i32>} : memref<784x128xf32, #tpu.memory_space<vmem>>, vector<16xf32>,
      %broadcast_in_dim3A_179 = arith.constant 0.000000e+00 : f32
      %broadcast_in_dim3A_180 = vector.broadcast %broadcast_in_dim3A_179 : f32 to vector<16xf32>
      %swap3A_181 = arith.index_cast %while3A_170 : i32 to index
      %swap3A_182 = arith.constant 32 : index
      %swap3A_183 = tpu.vector_load %arg11[%swap3A_181, %swap3A_182] {strides = array<i32>} : memref<784x128xf32, #tpu.memory_space<vmem>>, vector<16xf32>,
      tpu.vector_store %arg11[%swap3A_181, %swap3A_182], %broadcast_in_dim3A_180 {strides = array<i32>} : memref<784x128xf32, #tpu.memory_space<vmem>>, vector<16xf32>,
      %broadcast_in_dim3A_184 = arith.constant 0.000000e+00 : f32
      %broadcast_in_dim3A_185 = vector.broadcast %broadcast_in_dim3A_184 : f32 to vector<16xf32>
      %swap3A_186 = arith.index_cast %while3A_170 : i32 to index
      %swap3A_187 = arith.constant 48 : index
      %swap3A_188 = tpu.vector_load %arg11[%swap3A_186, %swap3A_187] {strides = array<i32>} : memref<784x128xf32, #tpu.memory_space<vmem>>, vector<16xf32>,
      tpu.vector_store %arg11[%swap3A_186, %swap3A_187], %broadcast_in_dim3A_185 {strides = array<i32>} : memref<784x128xf32, #tpu.memory_space<vmem>>, vector<16xf32>,
      %broadcast_in_dim3A_189 = arith.constant 0.000000e+00 : f32
      %broadcast_in_dim3A_190 = vector.broadcast %broadcast_in_dim3A_189 : f32 to vector<16xf32>
      %swap3A_191 = arith.index_cast %while3A_170 : i32 to index
      %swap3A_192 = arith.constant 64 : index
      %swap3A_193 = tpu.vector_load %arg11[%swap3A_191, %swap3A_192] {strides = array<i32>} : memref<784x128xf32, #tpu.memory_space<vmem>>, vector<16xf32>,
      tpu.vector_store %arg11[%swap3A_191, %swap3A_192], %broadcast_in_dim3A_190 {strides = array<i32>} : memref<784x128xf32, #tpu.memory_space<vmem>>, vector<16xf32>,
      %broadcast_in_dim3A_194 = arith.constant 0.000000e+00 : f32
      %broadcast_in_dim3A_195 = vector.broadcast %broadcast_in_dim3A_194 : f32 to vector<16xf32>
      %swap3A_196 = arith.index_cast %while3A_170 : i32 to index
      %swap3A_197 = arith.constant 80 : index
      %swap3A_198 = tpu.vector_load %arg11[%swap3A_196, %swap3A_197] {strides = array<i32>} : memref<784x128xf32, #tpu.memory_space<vmem>>, vector<16xf32>,
      tpu.vector_store %arg11[%swap3A_196, %swap3A_197], %broadcast_in_dim3A_195 {strides = array<i32>} : memref<784x128xf32, #tpu.memory_space<vmem>>, vector<16xf32>,
      %broadcast_in_dim3A_199 = arith.constant 0.000000e+00 : f32
      %broadcast_in_dim3A_200 = vector.broadcast %broadcast_in_dim3A_199 : f32 to vector<16xf32>
      %swap3A_201 = arith.index_cast %while3A_170 : i32 to index
      %swap3A_202 = arith.constant 96 : index
      %swap3A_203 = tpu.vector_load %arg11[%swap3A_201, %swap3A_202] {strides = array<i32>} : memref<784x128xf32, #tpu.memory_space<vmem>>, vector<16xf32>,
      tpu.vector_store %arg11[%swap3A_201, %swap3A_202], %broadcast_in_dim3A_200 {strides = array<i32>} : memref<784x128xf32, #tpu.memory_space<vmem>>, vector<16xf32>,
      %broadcast_in_dim3A_204 = arith.constant 0.000000e+00 : f32
      %broadcast_in_dim3A_205 = vector.broadcast %broadcast_in_dim3A_204 : f32 to vector<16xf32>
      %swap3A_206 = arith.index_cast %while3A_170 : i32 to index
      %swap3A_207 = arith.constant 112 : index
      %swap3A_208 = tpu.vector_load %arg11[%swap3A_206, %swap3A_207] {strides = array<i32>} : memref<784x128xf32, #tpu.memory_space<vmem>>, vector<16xf32>,
      tpu.vector_store %arg11[%swap3A_206, %swap3A_207], %broadcast_in_dim3A_205 {strides = array<i32>} : memref<784x128xf32, #tpu.memory_space<vmem>>, vector<16xf32>,
    }
    %while3A_87 = arith.constant 1 : i32
    scf.for %while3A_170 = %while3A_85 to %while3A_81 step %while3A_87  : i32 {
      %broadcast_in_dim3A = arith.constant 0.000000e+00 : f32
      %broadcast_in_dim3A_171 = vector.broadcast %broadcast_in_dim3A : f32 to vector<16xf32>
      %swap3A = arith.index_cast %while3A_170 : i32 to index
      %swap3A_172 = arith.constant 0 : index
      %swap3A_173 = tpu.vector_load %arg11[%swap3A, %swap3A_172] {strides = array<i32>} : memref<784x128xf32, #tpu.memory_space<vmem>>, vector<16xf32>,
      tpu.vector_store %arg11[%swap3A, %swap3A_172], %broadcast_in_dim3A_171 {strides = array<i32>} : memref<784x128xf32, #tpu.memory_space<vmem>>, vector<16xf32>,
      %broadcast_in_dim3A_174 = arith.constant 0.000000e+00 : f32
      %broadcast_in_dim3A_175 = vector.broadcast %broadcast_in_dim3A_174 : f32 to vector<16xf32>
      %swap3A_176 = arith.index_cast %while3A_170 : i32 to index
      %swap3A_177 = arith.constant 16 : index
      %swap3A_178 = tpu.vector_load %arg11[%swap3A_176, %swap3A_177] {strides = array<i32>} : memref<784x128xf32, #tpu.memory_space<vmem>>, vector<16xf32>,
      tpu.vector_store %arg11[%swap3A_176, %swap3A_177], %broadcast_in_dim3A_175 {strides = array<i32>} : memref<784x128xf32, #tpu.memory_space<vmem>>, vector<16xf32>,
      %broadcast_in_dim3A_179 = arith.constant 0.000000e+00 : f32
      %broadcast_in_dim3A_180 = vector.broadcast %broadcast_in_dim3A_179 : f32 to vector<16xf32>
      %swap3A_181 = arith.index_cast %while3A_170 : i32 to index
      %swap3A_182 = arith.constant 32 : index
      %swap3A_183 = tpu.vector_load %arg11[%swap3A_181, %swap3A_182] {strides = array<i32>} : memref<784x128xf32, #tpu.memory_space<vmem>>, vector<16xf32>,
      tpu.vector_store %arg11[%swap3A_181, %swap3A_182], %broadcast_in_dim3A_180 {strides = array<i32>} : memref<784x128xf32, #tpu.memory_space<vmem>>, vector<16xf32>,
      %broadcast_in_dim3A_184 = arith.constant 0.000000e+00 : f32
      %broadcast_in_dim3A_185 = vector.broadcast %broadcast_in_dim3A_184 : f32 to vector<16xf32>
      %swap3A_186 = arith.index_cast %while3A_170 : i32 to index
      %swap3A_187 = arith.constant 48 : index
      %swap3A_188 = tpu.vector_load %arg11[%swap3A_186, %swap3A_187] {strides = array<i32>} : memref<784x128xf32, #tpu.memory_space<vmem>>, vector<16xf32>,
      tpu.vector_store %arg11[%swap3A_186, %swap3A_187], %broadcast_in_dim3A_185 {strides = array<i32>} : memref<784x128xf32, #tpu.memory_space<vmem>>, vector<16xf32>,
      %broadcast_in_dim3A_189 = arith.constant 0.000000e+00 : f32
      %broadcast_in_dim3A_190 = vector.broadcast %broadcast_in_dim3A_189 : f32 to vector<16xf32>
      %swap3A_191 = arith.index_cast %while3A_170 : i32 to index
      %swap3A_192 = arith.constant 64 : index
      %swap3A_193 = tpu.vector_load %arg11[%swap3A_191, %swap3A_192] {strides = array<i32>} : memref<784x128xf32, #tpu.memory_space<vmem>>, vector<16xf32>,
      tpu.vector_store %arg11[%swap3A_191, %swap3A_192], %broadcast_in_dim3A_190 {strides = array<i32>} : memref<784x128xf32, #tpu.memory_space<vmem>>, vector<16xf32>,
      %broadcast_in_dim3A_194 = arith.constant 0.000000e+00 : f32
      %broadcast_in_dim3A_195 = vector.broadcast %broadcast_in_dim3A_194 : f32 to vector<16xf32>
      %swap3A_196 = arith.index_cast %while3A_170 : i32 to index
      %swap3A_197 = arith.constant 80 : index
      %swap3A_198 = tpu.vector_load %arg11[%swap3A_196, %swap3A_197] {strides = array<i32>} : memref<784x128xf32, #tpu.memory_space<vmem>>, vector<16xf32>,
      tpu.vector_store %arg11[%swap3A_196, %swap3A_197], %broadcast_in_dim3A_195 {strides = array<i32>} : memref<784x128xf32, #tpu.memory_space<vmem>>, vector<16xf32>,
      %broadcast_in_dim3A_199 = arith.constant 0.000000e+00 : f32
      %broadcast_in_dim3A_200 = vector.broadcast %broadcast_in_dim3A_199 : f32 to vector<16xf32>
      %swap3A_201 = arith.index_cast %while3A_170 : i32 to index
      %swap3A_202 = arith.constant 96 : index
      %swap3A_203 = tpu.vector_load %arg11[%swap3A_201, %swap3A_202] {strides = array<i32>} : memref<784x128xf32, #tpu.memory_space<vmem>>, vector<16xf32>,
      tpu.vector_store %arg11[%swap3A_201, %swap3A_202], %broadcast_in_dim3A_200 {strides = array<i32>} : memref<784x128xf32, #tpu.memory_space<vmem>>, vector<16xf32>,
      %broadcast_in_dim3A_204 = arith.constant 0.000000e+00 : f32
      %broadcast_in_dim3A_205 = vector.broadcast %broadcast_in_dim3A_204 : f32 to vector<16xf32>
      %swap3A_206 = arith.index_cast %while3A_170 : i32 to index
      %swap3A_207 = arith.constant 112 : index
      %swap3A_208 = tpu.vector_load %arg11[%swap3A_206, %swap3A_207] {strides = array<i32>} : memref<784x128xf32, #tpu.memory_space<vmem>>, vector<16xf32>,
      tpu.vector_store %arg11[%swap3A_206, %swap3A_207], %broadcast_in_dim3A_205 {strides = array<i32>} : memref<784x128xf32, #tpu.memory_space<vmem>>, vector<16xf32>,
    }
    %eq3A_88 = arith.constant 0 : i32
    %eq3A_89 = arith.cmpi eq, %arg0, %eq3A_88 : i32
    %convert_element_type3A_90 = arith.extui %eq3A_89 : i1 to i32
    %cond3A_91 = arith.constant 0 : i32
    %cond3A_92 = arith.cmpi ne, %convert_element_type3A_90, %cond3A_91 : i32
    scf.if %cond3A_92 {
      %iota3A = tpu.iota {dimensions = array<i32: 0>} : vector<16xi32>
      %eq3A_170 = arith.constant 15 : i32
      %eq3A_171 = vector.broadcast %eq3A_170 : i32 to vector<16xi32>
      %eq3A_172 = arith.cmpi eq, %iota3A, %eq3A_171 : vector<16xi32>
      %iota3A_173 = tpu.iota {dimensions = array<i32: 0>} : vector<16xi32>
      %lt3A = arith.constant 15 : i32
      %lt3A_174 = vector.broadcast %lt3A : i32 to vector<16xi32>
      %lt3A_175 = arith.cmpi slt, %iota3A_173, %lt3A_174 : vector<16xi32>
      %scan3A_176 = arith.constant 0 : i32
      %scan3A_177 = arith.constant 0 : i32
      %scan3A_178 = arith.constant 25 : i32
      %scan3A_179 = arith.addi %scan3A_177, %scan3A_178 : i32
      %scan3A_180 = arith.constant 1 : i32
      scf.for %scan3A_182 = %scan3A_177 to %scan3A_179 step %scan3A_180  : i32 {
        %dma_wait3A = arith.constant 0 : i32
        %dma_wait3A_183 = tpu.memref_slice %arg2[%dma_wait3A] : memref<3200000xf32, #tpu.memory_space<hbm>> -> memref<4000xf32, #tpu.memory_space<hbm>>
        %dma_wait3A_184 = arith.constant 0 : i32
        %dma_wait3A_185 = tpu.memref_slice %arg2[%dma_wait3A_184] : memref<3200000xf32, #tpu.memory_space<hbm>> -> memref<4000xf32, #tpu.memory_space<hbm>>
        tpu.wait_dma2 semaphore(%arg15 : memref<!tpu.dma_semaphore, #tpu.memory_space<semaphore_mem>>) src(%dma_wait3A_185 : memref<4000xf32, #tpu.memory_space<hbm>>) dst(%arg7 : memref<4000xf32, #tpu.memory_space<vmem>>)
        %dma_wait3A_186 = arith.constant 0 : i32
        %dma_wait3A_187 = tpu.memref_slice %arg9[%dma_wait3A_186] : memref<4016xi32, #tpu.memory_space<vmem>> -> memref<4000xi32, #tpu.memory_space<vmem>>
        %dma_wait3A_188 = arith.constant 0 : i32
        %dma_wait3A_189 = tpu.memref_slice %arg3[%dma_wait3A_188] : memref<3200000xi32, #tpu.memory_space<hbm>> -> memref<4000xi32, #tpu.memory_space<hbm>>
        %dma_wait3A_190 = arith.constant 0 : i32
        %dma_wait3A_191 = tpu.memref_slice %arg9[%dma_wait3A_190] : memref<4016xi32, #tpu.memory_space<vmem>> -> memref<4000xi32, #tpu.memory_space<vmem>>
        %dma_wait3A_192 = arith.constant 0 : i32
        %dma_wait3A_193 = tpu.memref_slice %arg3[%dma_wait3A_192] : memref<3200000xi32, #tpu.memory_space<hbm>> -> memref<4000xi32, #tpu.memory_space<hbm>>
        tpu.wait_dma2 semaphore(%arg15 : memref<!tpu.dma_semaphore, #tpu.memory_space<semaphore_mem>>) src(%dma_wait3A_193 : memref<4000xi32, #tpu.memory_space<hbm>>) dst(%dma_wait3A_191 : memref<4000xi32, #tpu.memory_space<vmem>>)
        %parallel_loop3A = arith.constant 0 : i32
        %parallel_loop3A_194 = arith.constant 250 : i32
        %parallel_loop3A_195 = arith.constant 1 : i32
        scf.for %parallel_loop3A_229 = %parallel_loop3A to %parallel_loop3A_194 step %parallel_loop3A_195  : i32 {
          %parallel_loop3A_230 = arith.constant 16 : i32
          %parallel_loop3A_231 = arith.muli %parallel_loop3A_229, %parallel_loop3A_230 : i32
          %parallel_loop3A_232 = arith.index_cast %parallel_loop3A_231 : i32 to index
          %parallel_loop3A_233 = tpu.vector_load %arg7[%parallel_loop3A_232] {strides = array<i32>} : memref<4000xf32, #tpu.memory_space<vmem>>, vector<16xf32>,
          %parallel_loop3A_234 = math.exp %parallel_loop3A_233 : vector<16xf32>
          %parallel_loop3A_235 = arith.constant true
          %parallel_loop3A_236 = vector.broadcast %parallel_loop3A_235 : i1 to vector<16xi1>
          %parallel_loop3A_237 = tpu.scan <sum>, %parallel_loop3A_234 masked %parallel_loop3A_236 : vector<16xf32>, vector<16xi1> -> vector<16xf32>
          %parallel_loop3A_238 = arith.constant 16 : i32
          %parallel_loop3A_239 = arith.muli %parallel_loop3A_229, %parallel_loop3A_238 : i32
          %parallel_loop3A_240 = arith.index_cast %parallel_loop3A_239 : i32 to index
          %parallel_loop3A_241 = tpu.vector_load %arg9[%parallel_loop3A_240] {strides = array<i32>} : memref<4016xi32, #tpu.memory_space<vmem>>, vector<16xi32>,
          %parallel_loop3A_242 = arith.constant 16 : i32
          %parallel_loop3A_243 = arith.muli %parallel_loop3A_229, %parallel_loop3A_242 : i32
          %parallel_loop3A_244 = arith.constant 1 : i32
          %parallel_loop3A_245 = arith.addi %parallel_loop3A_243, %parallel_loop3A_244 : i32
          %parallel_loop3A_246 = arith.index_cast %parallel_loop3A_245 : i32 to index
          %parallel_loop3A_247 = tpu.vector_load %arg9[%parallel_loop3A_246] {strides = array<i32>} : memref<4016xi32, #tpu.memory_space<vmem>>, vector<16xi32>,
          %parallel_loop3A_248 = arith.cmpi ne, %parallel_loop3A_241, %parallel_loop3A_247 : vector<16xi32>
          %parallel_loop3A_249 = arith.ori %parallel_loop3A_248, %eq3A_172 : vector<16xi1>
          %parallel_loop3A_250 = arith.andi %parallel_loop3A_248, %lt3A_175 : vector<16xi1>
          %parallel_loop3A_251 = arith.constant 7 : i32
          %parallel_loop3A_252 = vector.broadcast %parallel_loop3A_251 : i32 to vector<16xi32>
          %parallel_loop3A_253 = arith.shrui %parallel_loop3A_241, %parallel_loop3A_252 : vector<16xi32>
          %parallel_loop3A_254 = arith.constant 127 : i32
          %parallel_loop3A_255 = vector.broadcast %parallel_loop3A_254 : i32 to vector<16xi32>
          %parallel_loop3A_256 = arith.andi %parallel_loop3A_241, %parallel_loop3A_255 : vector<16xi32>
          tpu.vector_store_idx %arg11[%parallel_loop3A_253, %parallel_loop3A_256], %parallel_loop3A_237 masked %parallel_loop3A_249 {add = true} : memref<784x128xf32, #tpu.memory_space<vmem>>[vector<16xi32>, vector<16xi32>], vector<16xf32>, vector<16xi1>
          %parallel_loop3A_257 = arith.constant 7 : i32
          %parallel_loop3A_258 = vector.broadcast %parallel_loop3A_257 : i32 to vector<16xi32>
          %parallel_loop3A_259 = arith.shrui %parallel_loop3A_247, %parallel_loop3A_258 : vector<16xi32>
          %parallel_loop3A_260 = arith.constant 127 : i32
          %parallel_loop3A_261 = vector.broadcast %parallel_loop3A_260 : i32 to vector<16xi32>
          %parallel_loop3A_262 = arith.andi %parallel_loop3A_247, %parallel_loop3A_261 : vector<16xi32>
          %parallel_loop3A_263 = arith.constant 0.000000e+00 : f32
          %parallel_loop3A_264 = vector.broadcast %parallel_loop3A_263 : f32 to vector<16xf32>
          %parallel_loop3A_265 = arith.subf %parallel_loop3A_264, %parallel_loop3A_237 : vector<16xf32>
          tpu.vector_store_idx %arg11[%parallel_loop3A_259, %parallel_loop3A_262], %parallel_loop3A_265 masked %parallel_loop3A_250 {add = true} : memref<784x128xf32, #tpu.memory_space<vmem>>[vector<16xi32>, vector<16xi32>], vector<16xf32>, vector<16xi1>
        } {sc.loop_unroll_factor = 8 : i64, sc.parallel_access}
        %mul3A_196 = arith.constant 2 : i32
        %mul3A_197 = arith.muli %mul3A_196, %scan3A_182 : i32
        %add3A_198 = arith.constant 2 : i32
        %add3A_199 = arith.addi %mul3A_197, %add3A_198 : i32
        %lt3A_200 = arith.constant 50 : i32
        %lt3A_201 = arith.cmpi slt, %add3A_199, %lt3A_200 : i32
        %convert_element_type3A_202 = arith.extui %lt3A_201 : i1 to i32
        %cond3A_203 = arith.constant 0 : i32
        %cond3A_204 = arith.cmpi ne, %convert_element_type3A_202, %cond3A_203 : i32
        scf.if %cond3A_204 {
          %mul3A_229 = arith.constant 2 : i32
          %mul3A_230 = arith.muli %mul3A_229, %scan3A_182 : i32
          %add3A_231 = arith.constant 2 : i32
          %add3A_232 = arith.addi %mul3A_230, %add3A_231 : i32
          %mul3A_233 = arith.constant 4000 : i32
          %mul3A_234 = arith.muli %add3A_232, %mul3A_233 : i32
          %add3A_235 = arith.addi %mul3A_0, %mul3A_234 : i32
          %dma_start3A = tpu.memref_slice %arg2[%add3A_235] : memref<3200000xf32, #tpu.memory_space<hbm>> -> memref<4000xf32, #tpu.memory_space<hbm>>
          %dma_start3A_236 = tpu.memref_slice %arg2[%add3A_235] : memref<3200000xf32, #tpu.memory_space<hbm>> -> memref<4000xf32, #tpu.memory_space<hbm>>
          tpu.enqueue_dma source(%dma_start3A_236 : memref<4000xf32, #tpu.memory_space<hbm>>) target(%arg7 : memref<4000xf32, #tpu.memory_space<vmem>>) target_semaphore(%arg15 : memref<!tpu.dma_semaphore, #tpu.memory_space<semaphore_mem>>)
          %dma_start3A_237 = arith.constant 0 : i32
          %dma_start3A_238 = tpu.memref_slice %arg9[%dma_start3A_237] : memref<4016xi32, #tpu.memory_space<vmem>> -> memref<4000xi32, #tpu.memory_space<vmem>>
          %dma_start3A_239 = tpu.memref_slice %arg3[%add3A_235] : memref<3200000xi32, #tpu.memory_space<hbm>> -> memref<4000xi32, #tpu.memory_space<hbm>>
          %dma_start3A_240 = arith.constant 0 : i32
          %dma_start3A_241 = tpu.memref_slice %arg9[%dma_start3A_240] : memref<4016xi32, #tpu.memory_space<vmem>> -> memref<4000xi32, #tpu.memory_space<vmem>>
          %dma_start3A_242 = tpu.memref_slice %arg3[%add3A_235] : memref<3200000xi32, #tpu.memory_space<hbm>> -> memref<4000xi32, #tpu.memory_space<hbm>>
          tpu.enqueue_dma source(%dma_start3A_242 : memref<4000xi32, #tpu.memory_space<hbm>>) target(%dma_start3A_241 : memref<4000xi32, #tpu.memory_space<vmem>>) target_semaphore(%arg15 : memref<!tpu.dma_semaphore, #tpu.memory_space<semaphore_mem>>)
        } else {
        }
        %dma_wait3A_205 = arith.constant 0 : i32
        %dma_wait3A_206 = tpu.memref_slice %arg2[%dma_wait3A_205] : memref<3200000xf32, #tpu.memory_space<hbm>> -> memref<4000xf32, #tpu.memory_space<hbm>>
        %dma_wait3A_207 = arith.constant 0 : i32
        %dma_wait3A_208 = tpu.memref_slice %arg2[%dma_wait3A_207] : memref<3200000xf32, #tpu.memory_space<hbm>> -> memref<4000xf32, #tpu.memory_space<hbm>>
        tpu.wait_dma2 semaphore(%arg16 : memref<!tpu.dma_semaphore, #tpu.memory_space<semaphore_mem>>) src(%dma_wait3A_208 : memref<4000xf32, #tpu.memory_space<hbm>>) dst(%arg8 : memref<4000xf32, #tpu.memory_space<vmem>>)
        %dma_wait3A_209 = arith.constant 0 : i32
        %dma_wait3A_210 = tpu.memref_slice %arg10[%dma_wait3A_209] : memref<4016xi32, #tpu.memory_space<vmem>> -> memref<4000xi32, #tpu.memory_space<vmem>>
        %dma_wait3A_211 = arith.constant 0 : i32
        %dma_wait3A_212 = tpu.memref_slice %arg3[%dma_wait3A_211] : memref<3200000xi32, #tpu.memory_space<hbm>> -> memref<4000xi32, #tpu.memory_space<hbm>>
        %dma_wait3A_213 = arith.constant 0 : i32
        %dma_wait3A_214 = tpu.memref_slice %arg10[%dma_wait3A_213] : memref<4016xi32, #tpu.memory_space<vmem>> -> memref<4000xi32, #tpu.memory_space<vmem>>
        %dma_wait3A_215 = arith.constant 0 : i32
        %dma_wait3A_216 = tpu.memref_slice %arg3[%dma_wait3A_215] : memref<3200000xi32, #tpu.memory_space<hbm>> -> memref<4000xi32, #tpu.memory_space<hbm>>
        tpu.wait_dma2 semaphore(%arg16 : memref<!tpu.dma_semaphore, #tpu.memory_space<semaphore_mem>>) src(%dma_wait3A_216 : memref<4000xi32, #tpu.memory_space<hbm>>) dst(%dma_wait3A_214 : memref<4000xi32, #tpu.memory_space<vmem>>)
        %parallel_loop3A_217 = arith.constant 0 : i32
        %parallel_loop3A_218 = arith.constant 250 : i32
        %parallel_loop3A_219 = arith.constant 1 : i32
        scf.for %parallel_loop3A_229 = %parallel_loop3A_217 to %parallel_loop3A_218 step %parallel_loop3A_219  : i32 {
          %parallel_loop3A_230 = arith.constant 16 : i32
          %parallel_loop3A_231 = arith.muli %parallel_loop3A_229, %parallel_loop3A_230 : i32
          %parallel_loop3A_232 = arith.index_cast %parallel_loop3A_231 : i32 to index
          %parallel_loop3A_233 = tpu.vector_load %arg8[%parallel_loop3A_232] {strides = array<i32>} : memref<4000xf32, #tpu.memory_space<vmem>>, vector<16xf32>,
          %parallel_loop3A_234 = math.exp %parallel_loop3A_233 : vector<16xf32>
          %parallel_loop3A_235 = arith.constant true
          %parallel_loop3A_236 = vector.broadcast %parallel_loop3A_235 : i1 to vector<16xi1>
          %parallel_loop3A_237 = tpu.scan <sum>, %parallel_loop3A_234 masked %parallel_loop3A_236 : vector<16xf32>, vector<16xi1> -> vector<16xf32>
          %parallel_loop3A_238 = arith.constant 16 : i32
          %parallel_loop3A_239 = arith.muli %parallel_loop3A_229, %parallel_loop3A_238 : i32
          %parallel_loop3A_240 = arith.index_cast %parallel_loop3A_239 : i32 to index
          %parallel_loop3A_241 = tpu.vector_load %arg10[%parallel_loop3A_240] {strides = array<i32>} : memref<4016xi32, #tpu.memory_space<vmem>>, vector<16xi32>,
          %parallel_loop3A_242 = arith.constant 16 : i32
          %parallel_loop3A_243 = arith.muli %parallel_loop3A_229, %parallel_loop3A_242 : i32
          %parallel_loop3A_244 = arith.constant 1 : i32
          %parallel_loop3A_245 = arith.addi %parallel_loop3A_243, %parallel_loop3A_244 : i32
          %parallel_loop3A_246 = arith.index_cast %parallel_loop3A_245 : i32 to index
          %parallel_loop3A_247 = tpu.vector_load %arg10[%parallel_loop3A_246] {strides = array<i32>} : memref<4016xi32, #tpu.memory_space<vmem>>, vector<16xi32>,
          %parallel_loop3A_248 = arith.cmpi ne, %parallel_loop3A_241, %parallel_loop3A_247 : vector<16xi32>
          %parallel_loop3A_249 = arith.ori %parallel_loop3A_248, %eq3A_172 : vector<16xi1>
          %parallel_loop3A_250 = arith.andi %parallel_loop3A_248, %lt3A_175 : vector<16xi1>
          %parallel_loop3A_251 = arith.constant 7 : i32
          %parallel_loop3A_252 = vector.broadcast %parallel_loop3A_251 : i32 to vector<16xi32>
          %parallel_loop3A_253 = arith.shrui %parallel_loop3A_241, %parallel_loop3A_252 : vector<16xi32>
          %parallel_loop3A_254 = arith.constant 127 : i32
          %parallel_loop3A_255 = vector.broadcast %parallel_loop3A_254 : i32 to vector<16xi32>
          %parallel_loop3A_256 = arith.andi %parallel_loop3A_241, %parallel_loop3A_255 : vector<16xi32>
          tpu.vector_store_idx %arg11[%parallel_loop3A_253, %parallel_loop3A_256], %parallel_loop3A_237 masked %parallel_loop3A_249 {add = true} : memref<784x128xf32, #tpu.memory_space<vmem>>[vector<16xi32>, vector<16xi32>], vector<16xf32>, vector<16xi1>
          %parallel_loop3A_257 = arith.constant 7 : i32
          %parallel_loop3A_258 = vector.broadcast %parallel_loop3A_257 : i32 to vector<16xi32>
          %parallel_loop3A_259 = arith.shrui %parallel_loop3A_247, %parallel_loop3A_258 : vector<16xi32>
          %parallel_loop3A_260 = arith.constant 127 : i32
          %parallel_loop3A_261 = vector.broadcast %parallel_loop3A_260 : i32 to vector<16xi32>
          %parallel_loop3A_262 = arith.andi %parallel_loop3A_247, %parallel_loop3A_261 : vector<16xi32>
          %parallel_loop3A_263 = arith.constant 0.000000e+00 : f32
          %parallel_loop3A_264 = vector.broadcast %parallel_loop3A_263 : f32 to vector<16xf32>
          %parallel_loop3A_265 = arith.subf %parallel_loop3A_264, %parallel_loop3A_237 : vector<16xf32>
          tpu.vector_store_idx %arg11[%parallel_loop3A_259, %parallel_loop3A_262], %parallel_loop3A_265 masked %parallel_loop3A_250 {add = true} : memref<784x128xf32, #tpu.memory_space<vmem>>[vector<16xi32>, vector<16xi32>], vector<16xf32>, vector<16xi1>
        } {sc.loop_unroll_factor = 8 : i64, sc.parallel_access}
        %mul3A_220 = arith.constant 2 : i32
        %mul3A_221 = arith.muli %mul3A_220, %scan3A_182 : i32
        %add3A_222 = arith.constant 3 : i32
        %add3A_223 = arith.addi %mul3A_221, %add3A_222 : i32
        %lt3A_224 = arith.constant 50 : i32
        %lt3A_225 = arith.cmpi slt, %add3A_223, %lt3A_224 : i32
        %convert_element_type3A_226 = arith.extui %lt3A_225 : i1 to i32
        %cond3A_227 = arith.constant 0 : i32
        %cond3A_228 = arith.cmpi ne, %convert_element_type3A_226, %cond3A_227 : i32
        scf.if %cond3A_228 {
          %mul3A_229 = arith.constant 2 : i32
          %mul3A_230 = arith.muli %mul3A_229, %scan3A_182 : i32
          %add3A_231 = arith.constant 3 : i32
          %add3A_232 = arith.addi %mul3A_230, %add3A_231 : i32
          %mul3A_233 = arith.constant 4000 : i32
          %mul3A_234 = arith.muli %add3A_232, %mul3A_233 : i32
          %add3A_235 = arith.addi %mul3A_0, %mul3A_234 : i32
          %dma_start3A = tpu.memref_slice %arg2[%add3A_235] : memref<3200000xf32, #tpu.memory_space<hbm>> -> memref<4000xf32, #tpu.memory_space<hbm>>
          %dma_start3A_236 = tpu.memref_slice %arg2[%add3A_235] : memref<3200000xf32, #tpu.memory_space<hbm>> -> memref<4000xf32, #tpu.memory_space<hbm>>
          tpu.enqueue_dma source(%dma_start3A_236 : memref<4000xf32, #tpu.memory_space<hbm>>) target(%arg8 : memref<4000xf32, #tpu.memory_space<vmem>>) target_semaphore(%arg16 : memref<!tpu.dma_semaphore, #tpu.memory_space<semaphore_mem>>)
          %dma_start3A_237 = arith.constant 0 : i32
          %dma_start3A_238 = tpu.memref_slice %arg10[%dma_start3A_237] : memref<4016xi32, #tpu.memory_space<vmem>> -> memref<4000xi32, #tpu.memory_space<vmem>>
          %dma_start3A_239 = tpu.memref_slice %arg3[%add3A_235] : memref<3200000xi32, #tpu.memory_space<hbm>> -> memref<4000xi32, #tpu.memory_space<hbm>>
          %dma_start3A_240 = arith.constant 0 : i32
          %dma_start3A_241 = tpu.memref_slice %arg10[%dma_start3A_240] : memref<4016xi32, #tpu.memory_space<vmem>> -> memref<4000xi32, #tpu.memory_space<vmem>>
          %dma_start3A_242 = tpu.memref_slice %arg3[%add3A_235] : memref<3200000xi32, #tpu.memory_space<hbm>> -> memref<4000xi32, #tpu.memory_space<hbm>>
          tpu.enqueue_dma source(%dma_start3A_242 : memref<4000xi32, #tpu.memory_space<hbm>>) target(%dma_start3A_241 : memref<4000xi32, #tpu.memory_space<vmem>>) target_semaphore(%arg16 : memref<!tpu.dma_semaphore, #tpu.memory_space<semaphore_mem>>)
        } else {
        }
      }
      %scan3A_181 = arith.constant 25 : i32
    } else {
    }
    %eq3A_93 = arith.constant 1 : i32
    %eq3A_94 = arith.cmpi eq, %arg0, %eq3A_93 : i32
    %convert_element_type3A_95 = arith.extui %eq3A_94 : i1 to i32
    %cond3A_96 = arith.constant 0 : i32
    %cond3A_97 = arith.cmpi ne, %convert_element_type3A_95, %cond3A_96 : i32
    scf.if %cond3A_97 {
      %iota3A = tpu.iota {dimensions = array<i32: 0>} : vector<16xi32>
      %eq3A_170 = arith.constant 15 : i32
      %eq3A_171 = vector.broadcast %eq3A_170 : i32 to vector<16xi32>
      %eq3A_172 = arith.cmpi eq, %iota3A, %eq3A_171 : vector<16xi32>
      %iota3A_173 = tpu.iota {dimensions = array<i32: 0>} : vector<16xi32>
      %lt3A = arith.constant 15 : i32
      %lt3A_174 = vector.broadcast %lt3A : i32 to vector<16xi32>
      %lt3A_175 = arith.cmpi slt, %iota3A_173, %lt3A_174 : vector<16xi32>
      %scan3A_176 = arith.constant 0 : i32
      %scan3A_177 = arith.constant 0 : i32
      %scan3A_178 = arith.constant 25 : i32
      %scan3A_179 = arith.addi %scan3A_177, %scan3A_178 : i32
      %scan3A_180 = arith.constant 1 : i32
      scf.for %scan3A_182 = %scan3A_177 to %scan3A_179 step %scan3A_180  : i32 {
        %dma_wait3A = arith.constant 0 : i32
        %dma_wait3A_183 = tpu.memref_slice %arg4[%dma_wait3A] : memref<3200000xf32, #tpu.memory_space<hbm>> -> memref<4000xf32, #tpu.memory_space<hbm>>
        %dma_wait3A_184 = arith.constant 0 : i32
        %dma_wait3A_185 = tpu.memref_slice %arg4[%dma_wait3A_184] : memref<3200000xf32, #tpu.memory_space<hbm>> -> memref<4000xf32, #tpu.memory_space<hbm>>
        tpu.wait_dma2 semaphore(%arg15 : memref<!tpu.dma_semaphore, #tpu.memory_space<semaphore_mem>>) src(%dma_wait3A_185 : memref<4000xf32, #tpu.memory_space<hbm>>) dst(%arg7 : memref<4000xf32, #tpu.memory_space<vmem>>)
        %dma_wait3A_186 = arith.constant 0 : i32
        %dma_wait3A_187 = tpu.memref_slice %arg9[%dma_wait3A_186] : memref<4016xi32, #tpu.memory_space<vmem>> -> memref<4000xi32, #tpu.memory_space<vmem>>
        %dma_wait3A_188 = arith.constant 0 : i32
        %dma_wait3A_189 = tpu.memref_slice %arg5[%dma_wait3A_188] : memref<3200000xi32, #tpu.memory_space<hbm>> -> memref<4000xi32, #tpu.memory_space<hbm>>
        %dma_wait3A_190 = arith.constant 0 : i32
        %dma_wait3A_191 = tpu.memref_slice %arg9[%dma_wait3A_190] : memref<4016xi32, #tpu.memory_space<vmem>> -> memref<4000xi32, #tpu.memory_space<vmem>>
        %dma_wait3A_192 = arith.constant 0 : i32
        %dma_wait3A_193 = tpu.memref_slice %arg5[%dma_wait3A_192] : memref<3200000xi32, #tpu.memory_space<hbm>> -> memref<4000xi32, #tpu.memory_space<hbm>>
        tpu.wait_dma2 semaphore(%arg15 : memref<!tpu.dma_semaphore, #tpu.memory_space<semaphore_mem>>) src(%dma_wait3A_193 : memref<4000xi32, #tpu.memory_space<hbm>>) dst(%dma_wait3A_191 : memref<4000xi32, #tpu.memory_space<vmem>>)
        %parallel_loop3A = arith.constant 0 : i32
        %parallel_loop3A_194 = arith.constant 250 : i32
        %parallel_loop3A_195 = arith.constant 1 : i32
        scf.for %parallel_loop3A_229 = %parallel_loop3A to %parallel_loop3A_194 step %parallel_loop3A_195  : i32 {
          %parallel_loop3A_230 = arith.constant 16 : i32
          %parallel_loop3A_231 = arith.muli %parallel_loop3A_229, %parallel_loop3A_230 : i32
          %parallel_loop3A_232 = arith.index_cast %parallel_loop3A_231 : i32 to index
          %parallel_loop3A_233 = tpu.vector_load %arg7[%parallel_loop3A_232] {strides = array<i32>} : memref<4000xf32, #tpu.memory_space<vmem>>, vector<16xf32>,
          %parallel_loop3A_234 = math.exp %parallel_loop3A_233 : vector<16xf32>
          %parallel_loop3A_235 = arith.constant true
          %parallel_loop3A_236 = vector.broadcast %parallel_loop3A_235 : i1 to vector<16xi1>
          %parallel_loop3A_237 = tpu.scan <sum>, %parallel_loop3A_234 masked %parallel_loop3A_236 : vector<16xf32>, vector<16xi1> -> vector<16xf32>
          %parallel_loop3A_238 = arith.constant 16 : i32
          %parallel_loop3A_239 = arith.muli %parallel_loop3A_229, %parallel_loop3A_238 : i32
          %parallel_loop3A_240 = arith.index_cast %parallel_loop3A_239 : i32 to index
          %parallel_loop3A_241 = tpu.vector_load %arg9[%parallel_loop3A_240] {strides = array<i32>} : memref<4016xi32, #tpu.memory_space<vmem>>, vector<16xi32>,
          %parallel_loop3A_242 = arith.constant 16 : i32
          %parallel_loop3A_243 = arith.muli %parallel_loop3A_229, %parallel_loop3A_242 : i32
          %parallel_loop3A_244 = arith.constant 1 : i32
          %parallel_loop3A_245 = arith.addi %parallel_loop3A_243, %parallel_loop3A_244 : i32
          %parallel_loop3A_246 = arith.index_cast %parallel_loop3A_245 : i32 to index
          %parallel_loop3A_247 = tpu.vector_load %arg9[%parallel_loop3A_246] {strides = array<i32>} : memref<4016xi32, #tpu.memory_space<vmem>>, vector<16xi32>,
          %parallel_loop3A_248 = arith.cmpi ne, %parallel_loop3A_241, %parallel_loop3A_247 : vector<16xi32>
          %parallel_loop3A_249 = arith.ori %parallel_loop3A_248, %eq3A_172 : vector<16xi1>
          %parallel_loop3A_250 = arith.andi %parallel_loop3A_248, %lt3A_175 : vector<16xi1>
          %parallel_loop3A_251 = arith.constant 7 : i32
          %parallel_loop3A_252 = vector.broadcast %parallel_loop3A_251 : i32 to vector<16xi32>
          %parallel_loop3A_253 = arith.shrui %parallel_loop3A_241, %parallel_loop3A_252 : vector<16xi32>
          %parallel_loop3A_254 = arith.constant 127 : i32
          %parallel_loop3A_255 = vector.broadcast %parallel_loop3A_254 : i32 to vector<16xi32>
          %parallel_loop3A_256 = arith.andi %parallel_loop3A_241, %parallel_loop3A_255 : vector<16xi32>
          tpu.vector_store_idx %arg11[%parallel_loop3A_253, %parallel_loop3A_256], %parallel_loop3A_237 masked %parallel_loop3A_249 {add = true} : memref<784x128xf32, #tpu.memory_space<vmem>>[vector<16xi32>, vector<16xi32>], vector<16xf32>, vector<16xi1>
          %parallel_loop3A_257 = arith.constant 7 : i32
          %parallel_loop3A_258 = vector.broadcast %parallel_loop3A_257 : i32 to vector<16xi32>
          %parallel_loop3A_259 = arith.shrui %parallel_loop3A_247, %parallel_loop3A_258 : vector<16xi32>
          %parallel_loop3A_260 = arith.constant 127 : i32
          %parallel_loop3A_261 = vector.broadcast %parallel_loop3A_260 : i32 to vector<16xi32>
          %parallel_loop3A_262 = arith.andi %parallel_loop3A_247, %parallel_loop3A_261 : vector<16xi32>
          %parallel_loop3A_263 = arith.constant 0.000000e+00 : f32
          %parallel_loop3A_264 = vector.broadcast %parallel_loop3A_263 : f32 to vector<16xf32>
          %parallel_loop3A_265 = arith.subf %parallel_loop3A_264, %parallel_loop3A_237 : vector<16xf32>
          tpu.vector_store_idx %arg11[%parallel_loop3A_259, %parallel_loop3A_262], %parallel_loop3A_265 masked %parallel_loop3A_250 {add = true} : memref<784x128xf32, #tpu.memory_space<vmem>>[vector<16xi32>, vector<16xi32>], vector<16xf32>, vector<16xi1>
        } {sc.loop_unroll_factor = 8 : i64, sc.parallel_access}
        %mul3A_196 = arith.constant 2 : i32
        %mul3A_197 = arith.muli %mul3A_196, %scan3A_182 : i32
        %add3A_198 = arith.constant 2 : i32
        %add3A_199 = arith.addi %mul3A_197, %add3A_198 : i32
        %lt3A_200 = arith.constant 50 : i32
        %lt3A_201 = arith.cmpi slt, %add3A_199, %lt3A_200 : i32
        %convert_element_type3A_202 = arith.extui %lt3A_201 : i1 to i32
        %cond3A_203 = arith.constant 0 : i32
        %cond3A_204 = arith.cmpi ne, %convert_element_type3A_202, %cond3A_203 : i32
        scf.if %cond3A_204 {
          %mul3A_229 = arith.constant 2 : i32
          %mul3A_230 = arith.muli %mul3A_229, %scan3A_182 : i32
          %add3A_231 = arith.constant 2 : i32
          %add3A_232 = arith.addi %mul3A_230, %add3A_231 : i32
          %mul3A_233 = arith.constant 4000 : i32
          %mul3A_234 = arith.muli %add3A_232, %mul3A_233 : i32
          %add3A_235 = arith.addi %mul3A_0, %mul3A_234 : i32
          %dma_start3A = tpu.memref_slice %arg4[%add3A_235] : memref<3200000xf32, #tpu.memory_space<hbm>> -> memref<4000xf32, #tpu.memory_space<hbm>>
          %dma_start3A_236 = tpu.memref_slice %arg4[%add3A_235] : memref<3200000xf32, #tpu.memory_space<hbm>> -> memref<4000xf32, #tpu.memory_space<hbm>>
          tpu.enqueue_dma source(%dma_start3A_236 : memref<4000xf32, #tpu.memory_space<hbm>>) target(%arg7 : memref<4000xf32, #tpu.memory_space<vmem>>) target_semaphore(%arg15 : memref<!tpu.dma_semaphore, #tpu.memory_space<semaphore_mem>>)
          %dma_start3A_237 = arith.constant 0 : i32
          %dma_start3A_238 = tpu.memref_slice %arg9[%dma_start3A_237] : memref<4016xi32, #tpu.memory_space<vmem>> -> memref<4000xi32, #tpu.memory_space<vmem>>
          %dma_start3A_239 = tpu.memref_slice %arg5[%add3A_235] : memref<3200000xi32, #tpu.memory_space<hbm>> -> memref<4000xi32, #tpu.memory_space<hbm>>
          %dma_start3A_240 = arith.constant 0 : i32
          %dma_start3A_241 = tpu.memref_slice %arg9[%dma_start3A_240] : memref<4016xi32, #tpu.memory_space<vmem>> -> memref<4000xi32, #tpu.memory_space<vmem>>
          %dma_start3A_242 = tpu.memref_slice %arg5[%add3A_235] : memref<3200000xi32, #tpu.memory_space<hbm>> -> memref<4000xi32, #tpu.memory_space<hbm>>
          tpu.enqueue_dma source(%dma_start3A_242 : memref<4000xi32, #tpu.memory_space<hbm>>) target(%dma_start3A_241 : memref<4000xi32, #tpu.memory_space<vmem>>) target_semaphore(%arg15 : memref<!tpu.dma_semaphore, #tpu.memory_space<semaphore_mem>>)
        } else {
        }
        %dma_wait3A_205 = arith.constant 0 : i32
        %dma_wait3A_206 = tpu.memref_slice %arg4[%dma_wait3A_205] : memref<3200000xf32, #tpu.memory_space<hbm>> -> memref<4000xf32, #tpu.memory_space<hbm>>
        %dma_wait3A_207 = arith.constant 0 : i32
        %dma_wait3A_208 = tpu.memref_slice %arg4[%dma_wait3A_207] : memref<3200000xf32, #tpu.memory_space<hbm>> -> memref<4000xf32, #tpu.memory_space<hbm>>
        tpu.wait_dma2 semaphore(%arg16 : memref<!tpu.dma_semaphore, #tpu.memory_space<semaphore_mem>>) src(%dma_wait3A_208 : memref<4000xf32, #tpu.memory_space<hbm>>) dst(%arg8 : memref<4000xf32, #tpu.memory_space<vmem>>)
        %dma_wait3A_209 = arith.constant 0 : i32
        %dma_wait3A_210 = tpu.memref_slice %arg10[%dma_wait3A_209] : memref<4016xi32, #tpu.memory_space<vmem>> -> memref<4000xi32, #tpu.memory_space<vmem>>
        %dma_wait3A_211 = arith.constant 0 : i32
        %dma_wait3A_212 = tpu.memref_slice %arg5[%dma_wait3A_211] : memref<3200000xi32, #tpu.memory_space<hbm>> -> memref<4000xi32, #tpu.memory_space<hbm>>
        %dma_wait3A_213 = arith.constant 0 : i32
        %dma_wait3A_214 = tpu.memref_slice %arg10[%dma_wait3A_213] : memref<4016xi32, #tpu.memory_space<vmem>> -> memref<4000xi32, #tpu.memory_space<vmem>>
        %dma_wait3A_215 = arith.constant 0 : i32
        %dma_wait3A_216 = tpu.memref_slice %arg5[%dma_wait3A_215] : memref<3200000xi32, #tpu.memory_space<hbm>> -> memref<4000xi32, #tpu.memory_space<hbm>>
        tpu.wait_dma2 semaphore(%arg16 : memref<!tpu.dma_semaphore, #tpu.memory_space<semaphore_mem>>) src(%dma_wait3A_216 : memref<4000xi32, #tpu.memory_space<hbm>>) dst(%dma_wait3A_214 : memref<4000xi32, #tpu.memory_space<vmem>>)
        %parallel_loop3A_217 = arith.constant 0 : i32
        %parallel_loop3A_218 = arith.constant 250 : i32
        %parallel_loop3A_219 = arith.constant 1 : i32
        scf.for %parallel_loop3A_229 = %parallel_loop3A_217 to %parallel_loop3A_218 step %parallel_loop3A_219  : i32 {
          %parallel_loop3A_230 = arith.constant 16 : i32
          %parallel_loop3A_231 = arith.muli %parallel_loop3A_229, %parallel_loop3A_230 : i32
          %parallel_loop3A_232 = arith.index_cast %parallel_loop3A_231 : i32 to index
          %parallel_loop3A_233 = tpu.vector_load %arg8[%parallel_loop3A_232] {strides = array<i32>} : memref<4000xf32, #tpu.memory_space<vmem>>, vector<16xf32>,
          %parallel_loop3A_234 = math.exp %parallel_loop3A_233 : vector<16xf32>
          %parallel_loop3A_235 = arith.constant true
          %parallel_loop3A_236 = vector.broadcast %parallel_loop3A_235 : i1 to vector<16xi1>
          %parallel_loop3A_237 = tpu.scan <sum>, %parallel_loop3A_234 masked %parallel_loop3A_236 : vector<16xf32>, vector<16xi1> -> vector<16xf32>
          %parallel_loop3A_238 = arith.constant 16 : i32
          %parallel_loop3A_239 = arith.muli %parallel_loop3A_229, %parallel_loop3A_238 : i32
          %parallel_loop3A_240 = arith.index_cast %parallel_loop3A_239 : i32 to index
          %parallel_loop3A_241 = tpu.vector_load %arg10[%parallel_loop3A_240] {strides = array<i32>} : memref<4016xi32, #tpu.memory_space<vmem>>, vector<16xi32>,
          %parallel_loop3A_242 = arith.constant 16 : i32
          %parallel_loop3A_243 = arith.muli %parallel_loop3A_229, %parallel_loop3A_242 : i32
          %parallel_loop3A_244 = arith.constant 1 : i32
          %parallel_loop3A_245 = arith.addi %parallel_loop3A_243, %parallel_loop3A_244 : i32
          %parallel_loop3A_246 = arith.index_cast %parallel_loop3A_245 : i32 to index
          %parallel_loop3A_247 = tpu.vector_load %arg10[%parallel_loop3A_246] {strides = array<i32>} : memref<4016xi32, #tpu.memory_space<vmem>>, vector<16xi32>,
          %parallel_loop3A_248 = arith.cmpi ne, %parallel_loop3A_241, %parallel_loop3A_247 : vector<16xi32>
          %parallel_loop3A_249 = arith.ori %parallel_loop3A_248, %eq3A_172 : vector<16xi1>
          %parallel_loop3A_250 = arith.andi %parallel_loop3A_248, %lt3A_175 : vector<16xi1>
          %parallel_loop3A_251 = arith.constant 7 : i32
          %parallel_loop3A_252 = vector.broadcast %parallel_loop3A_251 : i32 to vector<16xi32>
          %parallel_loop3A_253 = arith.shrui %parallel_loop3A_241, %parallel_loop3A_252 : vector<16xi32>
          %parallel_loop3A_254 = arith.constant 127 : i32
          %parallel_loop3A_255 = vector.broadcast %parallel_loop3A_254 : i32 to vector<16xi32>
          %parallel_loop3A_256 = arith.andi %parallel_loop3A_241, %parallel_loop3A_255 : vector<16xi32>
          tpu.vector_store_idx %arg11[%parallel_loop3A_253, %parallel_loop3A_256], %parallel_loop3A_237 masked %parallel_loop3A_249 {add = true} : memref<784x128xf32, #tpu.memory_space<vmem>>[vector<16xi32>, vector<16xi32>], vector<16xf32>, vector<16xi1>
          %parallel_loop3A_257 = arith.constant 7 : i32
          %parallel_loop3A_258 = vector.broadcast %parallel_loop3A_257 : i32 to vector<16xi32>
          %parallel_loop3A_259 = arith.shrui %parallel_loop3A_247, %parallel_loop3A_258 : vector<16xi32>
          %parallel_loop3A_260 = arith.constant 127 : i32
          %parallel_loop3A_261 = vector.broadcast %parallel_loop3A_260 : i32 to vector<16xi32>
          %parallel_loop3A_262 = arith.andi %parallel_loop3A_247, %parallel_loop3A_261 : vector<16xi32>
          %parallel_loop3A_263 = arith.constant 0.000000e+00 : f32
          %parallel_loop3A_264 = vector.broadcast %parallel_loop3A_263 : f32 to vector<16xf32>
          %parallel_loop3A_265 = arith.subf %parallel_loop3A_264, %parallel_loop3A_237 : vector<16xf32>
          tpu.vector_store_idx %arg11[%parallel_loop3A_259, %parallel_loop3A_262], %parallel_loop3A_265 masked %parallel_loop3A_250 {add = true} : memref<784x128xf32, #tpu.memory_space<vmem>>[vector<16xi32>, vector<16xi32>], vector<16xf32>, vector<16xi1>
        } {sc.loop_unroll_factor = 8 : i64, sc.parallel_access}
        %mul3A_220 = arith.constant 2 : i32
        %mul3A_221 = arith.muli %mul3A_220, %scan3A_182 : i32
        %add3A_222 = arith.constant 3 : i32
        %add3A_223 = arith.addi %mul3A_221, %add3A_222 : i32
        %lt3A_224 = arith.constant 50 : i32
        %lt3A_225 = arith.cmpi slt, %add3A_223, %lt3A_224 : i32
        %convert_element_type3A_226 = arith.extui %lt3A_225 : i1 to i32
        %cond3A_227 = arith.constant 0 : i32
        %cond3A_228 = arith.cmpi ne, %convert_element_type3A_226, %cond3A_227 : i32
        scf.if %cond3A_228 {
          %mul3A_229 = arith.constant 2 : i32
          %mul3A_230 = arith.muli %mul3A_229, %scan3A_182 : i32
          %add3A_231 = arith.constant 3 : i32
          %add3A_232 = arith.addi %mul3A_230, %add3A_231 : i32
          %mul3A_233 = arith.constant 4000 : i32
          %mul3A_234 = arith.muli %add3A_232, %mul3A_233 : i32
          %add3A_235 = arith.addi %mul3A_0, %mul3A_234 : i32
          %dma_start3A = tpu.memref_slice %arg4[%add3A_235] : memref<3200000xf32, #tpu.memory_space<hbm>> -> memref<4000xf32, #tpu.memory_space<hbm>>
          %dma_start3A_236 = tpu.memref_slice %arg4[%add3A_235] : memref<3200000xf32, #tpu.memory_space<hbm>> -> memref<4000xf32, #tpu.memory_space<hbm>>
          tpu.enqueue_dma source(%dma_start3A_236 : memref<4000xf32, #tpu.memory_space<hbm>>) target(%arg8 : memref<4000xf32, #tpu.memory_space<vmem>>) target_semaphore(%arg16 : memref<!tpu.dma_semaphore, #tpu.memory_space<semaphore_mem>>)
          %dma_start3A_237 = arith.constant 0 : i32
          %dma_start3A_238 = tpu.memref_slice %arg10[%dma_start3A_237] : memref<4016xi32, #tpu.memory_space<vmem>> -> memref<4000xi32, #tpu.memory_space<vmem>>
          %dma_start3A_239 = tpu.memref_slice %arg5[%add3A_235] : memref<3200000xi32, #tpu.memory_space<hbm>> -> memref<4000xi32, #tpu.memory_space<hbm>>
          %dma_start3A_240 = arith.constant 0 : i32
          %dma_start3A_241 = tpu.memref_slice %arg10[%dma_start3A_240] : memref<4016xi32, #tpu.memory_space<vmem>> -> memref<4000xi32, #tpu.memory_space<vmem>>
          %dma_start3A_242 = tpu.memref_slice %arg5[%add3A_235] : memref<3200000xi32, #tpu.memory_space<hbm>> -> memref<4000xi32, #tpu.memory_space<hbm>>
          tpu.enqueue_dma source(%dma_start3A_242 : memref<4000xi32, #tpu.memory_space<hbm>>) target(%dma_start3A_241 : memref<4000xi32, #tpu.memory_space<vmem>>) target_semaphore(%arg16 : memref<!tpu.dma_semaphore, #tpu.memory_space<semaphore_mem>>)
        } else {
        }
      }
      %scan3A_181 = arith.constant 25 : i32
    } else {
    }
    %barrier3A = arith.constant 0 : index
    tpu.barrier barrier_id(%barrier3A)
    %jit3A_98 = arith.constant 16 : i32
    %div3A_99 = arith.divsi %shift_right_logical3A_25, %jit3A_98 : i32
    %sign3A_100 = arith.constant 0 : i32
    %sign3A_101 = arith.cmpi sgt, %shift_right_logical3A_25, %sign3A_100 : i32
    %sign3A_102 = arith.extui %sign3A_101 : i1 to i32
    %sign3A_103 = arith.constant 0 : i32
    %sign3A_104 = arith.cmpi slt, %shift_right_logical3A_25, %sign3A_103 : i32
    %sign3A_105 = arith.extui %sign3A_104 : i1 to i32
    %sign3A_106 = arith.subi %sign3A_102, %sign3A_105 : i32
    %sign3A_107 = arith.constant 0 : i32
    %sign3A_108 = arith.cmpi sgt, %jit3A_98, %sign3A_107 : i32
    %sign3A_109 = arith.extui %sign3A_108 : i1 to i32
    %sign3A_110 = arith.constant 0 : i32
    %sign3A_111 = arith.cmpi slt, %jit3A_98, %sign3A_110 : i32
    %sign3A_112 = arith.extui %sign3A_111 : i1 to i32
    %sign3A_113 = arith.subi %sign3A_109, %sign3A_112 : i32
    %ne3A_114 = arith.cmpi ne, %sign3A_106, %sign3A_113 : i32
    %rem3A_115 = arith.remsi %shift_right_logical3A_25, %jit3A_98 : i32
    %ne3A_116 = arith.constant 0 : i32
    %ne3A_117 = arith.cmpi ne, %rem3A_115, %ne3A_116 : i32
    %and3A_118 = arith.andi %ne3A_114, %ne3A_117 : i1
    %sub3A_119 = arith.constant 1 : i32
    %sub3A_120 = arith.subi %div3A_99, %sub3A_119 : i32
    %select_n3A_121 = arith.select %and3A_118, %sub3A_120, %div3A_99 : i32
    %jit3A_122 = arith.constant 16 : i32
    %div3A_123 = arith.divsi %shift_right_logical3A_27, %jit3A_122 : i32
    %sign3A_124 = arith.constant 0 : i32
    %sign3A_125 = arith.cmpi sgt, %shift_right_logical3A_27, %sign3A_124 : i32
    %sign3A_126 = arith.extui %sign3A_125 : i1 to i32
    %sign3A_127 = arith.constant 0 : i32
    %sign3A_128 = arith.cmpi slt, %shift_right_logical3A_27, %sign3A_127 : i32
    %sign3A_129 = arith.extui %sign3A_128 : i1 to i32
    %sign3A_130 = arith.subi %sign3A_126, %sign3A_129 : i32
    %sign3A_131 = arith.constant 0 : i32
    %sign3A_132 = arith.cmpi sgt, %jit3A_122, %sign3A_131 : i32
    %sign3A_133 = arith.extui %sign3A_132 : i1 to i32
    %sign3A_134 = arith.constant 0 : i32
    %sign3A_135 = arith.cmpi slt, %jit3A_122, %sign3A_134 : i32
    %sign3A_136 = arith.extui %sign3A_135 : i1 to i32
    %sign3A_137 = arith.subi %sign3A_133, %sign3A_136 : i32
    %ne3A_138 = arith.cmpi ne, %sign3A_130, %sign3A_137 : i32
    %rem3A_139 = arith.remsi %shift_right_logical3A_27, %jit3A_122 : i32
    %ne3A_140 = arith.constant 0 : i32
    %ne3A_141 = arith.cmpi ne, %rem3A_139, %ne3A_140 : i32
    %and3A_142 = arith.andi %ne3A_138, %ne3A_141 : i1
    %sub3A_143 = arith.constant 1 : i32
    %sub3A_144 = arith.subi %div3A_123, %sub3A_143 : i32
    %select_n3A_145 = arith.select %and3A_142, %sub3A_144, %div3A_123 : i32
    %add3A_146 = arith.constant 1 : i32
    %add3A_147 = arith.addi %select_n3A_145, %add3A_146 : i32
    %while3A_148 = arith.constant 0 : i32
    %while3A_149 = arith.subi %add3A_147, %select_n3A_121 : i32
    %while3A_150 = arith.addi %select_n3A_121, %while3A_149 : i32
    %while3A_151 = arith.constant 1 : i32
    %while3A_152 = arith.divsi %while3A_149, %while3A_151 : i32
    %while3A_153 = arith.muli %while3A_152, %while3A_151 : i32
    %while3A_154 = arith.addi %select_n3A_121, %while3A_153 : i32
    %while3A_155 = arith.constant 1 : i32
    scf.for %while3A_170 = %select_n3A_121 to %while3A_154 step %while3A_155  : i32 {
      %iota3A = tpu.iota {dimensions = array<i32: 0>} : vector<16xi32>
      %mul3A_171 = arith.constant 16 : i32
      %mul3A_172 = arith.muli %while3A_170, %mul3A_171 : i32
      %add3A_173 = vector.broadcast %mul3A_172 : i32 to vector<16xi32>
      %add3A_174 = arith.addi %iota3A, %add3A_173 : vector<16xi32>
      %swap3A = arith.constant 0 : index
      %swap3A_175 = tpu.vector_load %arg13[%swap3A] {strides = array<i32>} : memref<16xi32, #tpu.memory_space<vmem>>, vector<16xi32>,
      tpu.vector_store %arg13[%swap3A], %add3A_174 {strides = array<i32>} : memref<16xi32, #tpu.memory_space<vmem>>, vector<16xi32>,
      %mul3A_176 = arith.constant 16 : i32
      %mul3A_177 = arith.muli %while3A_170, %mul3A_176 : i32
      "tpu.region"() ({
        %run_scoped3A = tpu.sem_alloc : memref<!tpu.dma_semaphore, #tpu.memory_space<semaphore_mem>>
        %dma_start3A = arith.constant 0 : i32
        %dma_start3A_178 = tpu.memref_slice %arg11[%mul3A_177, %dma_start3A] : memref<784x128xf32, #tpu.memory_space<vmem>> -> memref<16x128xf32, #tpu.memory_space<vmem>>
        %dma_start3A_179 = arith.constant 0 : i32
        %dma_start3A_180 = tpu.memref_slice %arg13[%dma_start3A_179] : memref<16xi32, #tpu.memory_space<vmem>> -> memref<16xi32, #tpu.memory_space<vmem>>
        %dma_start3A_181 = arith.constant 0 : i32
        %dma_start3A_182 = arith.constant 0 : i32
        %dma_start3A_183 = tpu.memref_slice %arg14[%dma_start3A_181, %dma_start3A_182] : memref<784x128xf32, #tpu.memory_space<vmem_shared>> -> memref<784x128xf32, #tpu.memory_space<vmem_shared>>
        tpu.enqueue_indirect_dma source(%dma_start3A_178 : memref<16x128xf32, #tpu.memory_space<vmem>>) target(%dma_start3A_183 : memref<784x128xf32, #tpu.memory_space<vmem_shared>>) offsets(%dma_start3A_180 : memref<16xi32, #tpu.memory_space<vmem>>) semaphore(%run_scoped3A : memref<!tpu.dma_semaphore, #tpu.memory_space<semaphore_mem>>) {add = true}
        %dma_wait3A = arith.constant 0 : i32
        %dma_wait3A_184 = tpu.memref_slice %arg11[%mul3A_177, %dma_wait3A] : memref<784x128xf32, #tpu.memory_space<vmem>> -> memref<16x128xf32, #tpu.memory_space<vmem>>
        %dma_wait3A_185 = arith.constant 0 : i32
        %dma_wait3A_186 = tpu.memref_slice %arg13[%dma_wait3A_185] : memref<16xi32, #tpu.memory_space<vmem>> -> memref<16xi32, #tpu.memory_space<vmem>>
        %dma_wait3A_187 = arith.constant 0 : i32
        %dma_wait3A_188 = arith.constant 0 : i32
        %dma_wait3A_189 = tpu.memref_slice %arg14[%dma_wait3A_187, %dma_wait3A_188] : memref<784x128xf32, #tpu.memory_space<vmem_shared>> -> memref<784x128xf32, #tpu.memory_space<vmem_shared>>
        tpu.wait_indirect_dma semaphore(%run_scoped3A : memref<!tpu.dma_semaphore, #tpu.memory_space<semaphore_mem>>) src(%dma_wait3A_184 : memref<16x128xf32, #tpu.memory_space<vmem>>) dst(%dma_wait3A_189 : memref<784x128xf32, #tpu.memory_space<vmem_shared>>)
        tpu.yield
      }) : () -> ()
    }
    %while3A_156 = arith.constant 1 : i32
    scf.for %while3A_170 = %while3A_154 to %while3A_150 step %while3A_156  : i32 {
      %iota3A = tpu.iota {dimensions = array<i32: 0>} : vector<16xi32>
      %mul3A_171 = arith.constant 16 : i32
      %mul3A_172 = arith.muli %while3A_170, %mul3A_171 : i32
      %add3A_173 = vector.broadcast %mul3A_172 : i32 to vector<16xi32>
      %add3A_174 = arith.addi %iota3A, %add3A_173 : vector<16xi32>
      %swap3A = arith.constant 0 : index
      %swap3A_175 = tpu.vector_load %arg13[%swap3A] {strides = array<i32>} : memref<16xi32, #tpu.memory_space<vmem>>, vector<16xi32>,
      tpu.vector_store %arg13[%swap3A], %add3A_174 {strides = array<i32>} : memref<16xi32, #tpu.memory_space<vmem>>, vector<16xi32>,
      %mul3A_176 = arith.constant 16 : i32
      %mul3A_177 = arith.muli %while3A_170, %mul3A_176 : i32
      "tpu.region"() ({
        %run_scoped3A = tpu.sem_alloc : memref<!tpu.dma_semaphore, #tpu.memory_space<semaphore_mem>>
        %dma_start3A = arith.constant 0 : i32
        %dma_start3A_178 = tpu.memref_slice %arg11[%mul3A_177, %dma_start3A] : memref<784x128xf32, #tpu.memory_space<vmem>> -> memref<16x128xf32, #tpu.memory_space<vmem>>
        %dma_start3A_179 = arith.constant 0 : i32
        %dma_start3A_180 = tpu.memref_slice %arg13[%dma_start3A_179] : memref<16xi32, #tpu.memory_space<vmem>> -> memref<16xi32, #tpu.memory_space<vmem>>
        %dma_start3A_181 = arith.constant 0 : i32
        %dma_start3A_182 = arith.constant 0 : i32
        %dma_start3A_183 = tpu.memref_slice %arg14[%dma_start3A_181, %dma_start3A_182] : memref<784x128xf32, #tpu.memory_space<vmem_shared>> -> memref<784x128xf32, #tpu.memory_space<vmem_shared>>
        tpu.enqueue_indirect_dma source(%dma_start3A_178 : memref<16x128xf32, #tpu.memory_space<vmem>>) target(%dma_start3A_183 : memref<784x128xf32, #tpu.memory_space<vmem_shared>>) offsets(%dma_start3A_180 : memref<16xi32, #tpu.memory_space<vmem>>) semaphore(%run_scoped3A : memref<!tpu.dma_semaphore, #tpu.memory_space<semaphore_mem>>) {add = true}
        %dma_wait3A = arith.constant 0 : i32
        %dma_wait3A_184 = tpu.memref_slice %arg11[%mul3A_177, %dma_wait3A] : memref<784x128xf32, #tpu.memory_space<vmem>> -> memref<16x128xf32, #tpu.memory_space<vmem>>
        %dma_wait3A_185 = arith.constant 0 : i32
        %dma_wait3A_186 = tpu.memref_slice %arg13[%dma_wait3A_185] : memref<16xi32, #tpu.memory_space<vmem>> -> memref<16xi32, #tpu.memory_space<vmem>>
        %dma_wait3A_187 = arith.constant 0 : i32
        %dma_wait3A_188 = arith.constant 0 : i32
        %dma_wait3A_189 = tpu.memref_slice %arg14[%dma_wait3A_187, %dma_wait3A_188] : memref<784x128xf32, #tpu.memory_space<vmem_shared>> -> memref<784x128xf32, #tpu.memory_space<vmem_shared>>
        tpu.wait_indirect_dma semaphore(%run_scoped3A : memref<!tpu.dma_semaphore, #tpu.memory_space<semaphore_mem>>) src(%dma_wait3A_184 : memref<16x128xf32, #tpu.memory_space<vmem>>) dst(%dma_wait3A_189 : memref<784x128xf32, #tpu.memory_space<vmem_shared>>)
        tpu.yield
      }) : () -> ()
    }
    %barrier3A_157 = arith.constant 0 : index
    tpu.barrier barrier_id(%barrier3A_157)
    %mul3A_158 = arith.constant 49 : i32
    %mul3A_159 = arith.muli %arg1, %mul3A_158 : i32
    "tpu.region"() ({
      %run_scoped3A = tpu.sem_alloc : memref<!tpu.dma_semaphore, #tpu.memory_space<semaphore_mem>>
      %dma_start3A = arith.constant 0 : i32
      %dma_start3A_170 = arith.constant 0 : i32
      %dma_start3A_171 = tpu.memref_slice %arg11[%dma_start3A, %dma_start3A_170] : memref<784x128xf32, #tpu.memory_space<vmem>> -> memref<49x128xf32, #tpu.memory_space<vmem>>
      %dma_start3A_172 = arith.constant 0 : i32
      %dma_start3A_173 = tpu.memref_slice %arg14[%mul3A_159, %dma_start3A_172] : memref<784x128xf32, #tpu.memory_space<vmem_shared>> -> memref<49x128xf32, #tpu.memory_space<vmem_shared>>
      %dma_start3A_174 = arith.constant 0 : i32
      %dma_start3A_175 = arith.constant 0 : i32
      %dma_start3A_176 = tpu.memref_slice %arg11[%dma_start3A_174, %dma_start3A_175] : memref<784x128xf32, #tpu.memory_space<vmem>> -> memref<49x128xf32, #tpu.memory_space<vmem>>
      %dma_start3A_177 = arith.constant 0 : i32
      %dma_start3A_178 = tpu.memref_slice %arg14[%mul3A_159, %dma_start3A_177] : memref<784x128xf32, #tpu.memory_space<vmem_shared>> -> memref<49x128xf32, #tpu.memory_space<vmem_shared>>
      tpu.enqueue_dma source(%dma_start3A_178 : memref<49x128xf32, #tpu.memory_space<vmem_shared>>) target(%dma_start3A_176 : memref<49x128xf32, #tpu.memory_space<vmem>>) target_semaphore(%run_scoped3A : memref<!tpu.dma_semaphore, #tpu.memory_space<semaphore_mem>>)
      %dma_wait3A = arith.constant 0 : i32
      %dma_wait3A_179 = arith.constant 0 : i32
      %dma_wait3A_180 = tpu.memref_slice %arg11[%dma_wait3A, %dma_wait3A_179] : memref<784x128xf32, #tpu.memory_space<vmem>> -> memref<49x128xf32, #tpu.memory_space<vmem>>
      %dma_wait3A_181 = arith.constant 0 : i32
      %dma_wait3A_182 = tpu.memref_slice %arg14[%mul3A_159, %dma_wait3A_181] : memref<784x128xf32, #tpu.memory_space<vmem_shared>> -> memref<49x128xf32, #tpu.memory_space<vmem_shared>>
      %dma_wait3A_183 = arith.constant 0 : i32
      %dma_wait3A_184 = arith.constant 0 : i32
      %dma_wait3A_185 = tpu.memref_slice %arg11[%dma_wait3A_183, %dma_wait3A_184] : memref<784x128xf32, #tpu.memory_space<vmem>> -> memref<49x128xf32, #tpu.memory_space<vmem>>
      %dma_wait3A_186 = arith.constant 0 : i32
      %dma_wait3A_187 = tpu.memref_slice %arg14[%mul3A_159, %dma_wait3A_186] : memref<784x128xf32, #tpu.memory_space<vmem_shared>> -> memref<49x128xf32, #tpu.memory_space<vmem_shared>>
      tpu.wait_dma2 semaphore(%run_scoped3A : memref<!tpu.dma_semaphore, #tpu.memory_space<semaphore_mem>>) src(%dma_wait3A_187 : memref<49x128xf32, #tpu.memory_space<vmem_shared>>) dst(%dma_wait3A_185 : memref<49x128xf32, #tpu.memory_space<vmem>>)
      tpu.yield
    }) : () -> ()
    %eq3A_160 = arith.constant 0 : i32
    %eq3A_161 = arith.cmpi eq, %arg0, %eq3A_160 : i32
    %convert_element_type3A_162 = arith.extui %eq3A_161 : i1 to i32
    %cond3A_163 = arith.constant 0 : i32
    %cond3A_164 = arith.cmpi ne, %convert_element_type3A_162, %cond3A_163 : i32
    scf.if %cond3A_164 {
      %mul3A_170 = arith.constant 49 : i32
      %mul3A_171 = arith.muli %arg1, %mul3A_170 : i32
      %run_scoped3A = arith.constant 0 : i32
      "tpu.region"() ({
        %run_scoped3A_172 = tpu.sem_alloc : memref<!tpu.dma_semaphore, #tpu.memory_space<semaphore_mem>>
        %dma_start3A = arith.constant 0 : i32
        %dma_start3A_173 = arith.constant 0 : i32
        %dma_start3A_174 = tpu.memref_slice %arg11[%dma_start3A, %dma_start3A_173] : memref<784x128xf32, #tpu.memory_space<vmem>> -> memref<49x128xf32, #tpu.memory_space<vmem>>
        %dma_start3A_175 = arith.constant 0 : i32
        %dma_start3A_176 = tpu.memref_slice %arg6[%run_scoped3A, %mul3A_171, %dma_start3A_175] : memref<2x784x128xf32, #tpu.memory_space<hbm>> -> memref<1x49x128xf32, #tpu.memory_space<hbm>>
        %dma_start3A_177 = tpu.memref_squeeze %dma_start3A_176 : memref<1x49x128xf32, #tpu.memory_space<hbm>> -> memref<49x128xf32, #tpu.memory_space<hbm>>
        %dma_start3A_178 = arith.constant 0 : i32
        %dma_start3A_179 = tpu.memref_slice %arg6[%run_scoped3A, %mul3A_171, %dma_start3A_178] : memref<2x784x128xf32, #tpu.memory_space<hbm>> -> memref<1x49x128xf32, #tpu.memory_space<hbm>>
        %dma_start3A_180 = tpu.memref_squeeze %dma_start3A_179 : memref<1x49x128xf32, #tpu.memory_space<hbm>> -> memref<49x128xf32, #tpu.memory_space<hbm>>
        %dma_start3A_181 = arith.constant 0 : i32
        %dma_start3A_182 = arith.constant 0 : i32
        %dma_start3A_183 = tpu.memref_slice %arg11[%dma_start3A_181, %dma_start3A_182] : memref<784x128xf32, #tpu.memory_space<vmem>> -> memref<49x128xf32, #tpu.memory_space<vmem>>
        tpu.enqueue_dma source(%dma_start3A_183 : memref<49x128xf32, #tpu.memory_space<vmem>>) target(%dma_start3A_180 : memref<49x128xf32, #tpu.memory_space<hbm>>) target_semaphore(%run_scoped3A_172 : memref<!tpu.dma_semaphore, #tpu.memory_space<semaphore_mem>>)
        %dma_wait3A = arith.constant 0 : i32
        %dma_wait3A_184 = arith.constant 0 : i32
        %dma_wait3A_185 = tpu.memref_slice %arg11[%dma_wait3A, %dma_wait3A_184] : memref<784x128xf32, #tpu.memory_space<vmem>> -> memref<49x128xf32, #tpu.memory_space<vmem>>
        %dma_wait3A_186 = arith.constant 0 : i32
        %dma_wait3A_187 = tpu.memref_slice %arg6[%run_scoped3A, %mul3A_171, %dma_wait3A_186] : memref<2x784x128xf32, #tpu.memory_space<hbm>> -> memref<1x49x128xf32, #tpu.memory_space<hbm>>
        %dma_wait3A_188 = tpu.memref_squeeze %dma_wait3A_187 : memref<1x49x128xf32, #tpu.memory_space<hbm>> -> memref<49x128xf32, #tpu.memory_space<hbm>>
        %dma_wait3A_189 = arith.constant 0 : i32
        %dma_wait3A_190 = tpu.memref_slice %arg6[%run_scoped3A, %mul3A_171, %dma_wait3A_189] : memref<2x784x128xf32, #tpu.memory_space<hbm>> -> memref<1x49x128xf32, #tpu.memory_space<hbm>>
        %dma_wait3A_191 = tpu.memref_squeeze %dma_wait3A_190 : memref<1x49x128xf32, #tpu.memory_space<hbm>> -> memref<49x128xf32, #tpu.memory_space<hbm>>
        %dma_wait3A_192 = arith.constant 0 : i32
        %dma_wait3A_193 = arith.constant 0 : i32
        %dma_wait3A_194 = tpu.memref_slice %arg11[%dma_wait3A_192, %dma_wait3A_193] : memref<784x128xf32, #tpu.memory_space<vmem>> -> memref<49x128xf32, #tpu.memory_space<vmem>>
        tpu.wait_dma2 semaphore(%run_scoped3A_172 : memref<!tpu.dma_semaphore, #tpu.memory_space<semaphore_mem>>) src(%dma_wait3A_194 : memref<49x128xf32, #tpu.memory_space<vmem>>) dst(%dma_wait3A_191 : memref<49x128xf32, #tpu.memory_space<hbm>>)
        tpu.yield
      }) : () -> ()
    } else {
    }
    %eq3A_165 = arith.constant 1 : i32
    %eq3A_166 = arith.cmpi eq, %arg0, %eq3A_165 : i32
    %convert_element_type3A_167 = arith.extui %eq3A_166 : i1 to i32
    %cond3A_168 = arith.constant 0 : i32
    %cond3A_169 = arith.cmpi ne, %convert_element_type3A_167, %cond3A_168 : i32
    scf.if %cond3A_169 {
      %mul3A_170 = arith.constant 49 : i32
      %mul3A_171 = arith.muli %arg1, %mul3A_170 : i32
      %run_scoped3A = arith.constant 1 : i32
      "tpu.region"() ({
        %run_scoped3A_172 = tpu.sem_alloc : memref<!tpu.dma_semaphore, #tpu.memory_space<semaphore_mem>>
        %dma_start3A = arith.constant 0 : i32
        %dma_start3A_173 = arith.constant 0 : i32
        %dma_start3A_174 = tpu.memref_slice %arg11[%dma_start3A, %dma_start3A_173] : memref<784x128xf32, #tpu.memory_space<vmem>> -> memref<49x128xf32, #tpu.memory_space<vmem>>
        %dma_start3A_175 = arith.constant 0 : i32
        %dma_start3A_176 = tpu.memref_slice %arg6[%run_scoped3A, %mul3A_171, %dma_start3A_175] : memref<2x784x128xf32, #tpu.memory_space<hbm>> -> memref<1x49x128xf32, #tpu.memory_space<hbm>>
        %dma_start3A_177 = tpu.memref_squeeze %dma_start3A_176 : memref<1x49x128xf32, #tpu.memory_space<hbm>> -> memref<49x128xf32, #tpu.memory_space<hbm>>
        %dma_start3A_178 = arith.constant 0 : i32
        %dma_start3A_179 = tpu.memref_slice %arg6[%run_scoped3A, %mul3A_171, %dma_start3A_178] : memref<2x784x128xf32, #tpu.memory_space<hbm>> -> memref<1x49x128xf32, #tpu.memory_space<hbm>>
        %dma_start3A_180 = tpu.memref_squeeze %dma_start3A_179 : memref<1x49x128xf32, #tpu.memory_space<hbm>> -> memref<49x128xf32, #tpu.memory_space<hbm>>
        %dma_start3A_181 = arith.constant 0 : i32
        %dma_start3A_182 = arith.constant 0 : i32
        %dma_start3A_183 = tpu.memref_slice %arg11[%dma_start3A_181, %dma_start3A_182] : memref<784x128xf32, #tpu.memory_space<vmem>> -> memref<49x128xf32, #tpu.memory_space<vmem>>
        tpu.enqueue_dma source(%dma_start3A_183 : memref<49x128xf32, #tpu.memory_space<vmem>>) target(%dma_start3A_180 : memref<49x128xf32, #tpu.memory_space<hbm>>) target_semaphore(%run_scoped3A_172 : memref<!tpu.dma_semaphore, #tpu.memory_space<semaphore_mem>>)
        %dma_wait3A = arith.constant 0 : i32
        %dma_wait3A_184 = arith.constant 0 : i32
        %dma_wait3A_185 = tpu.memref_slice %arg11[%dma_wait3A, %dma_wait3A_184] : memref<784x128xf32, #tpu.memory_space<vmem>> -> memref<49x128xf32, #tpu.memory_space<vmem>>
        %dma_wait3A_186 = arith.constant 0 : i32
        %dma_wait3A_187 = tpu.memref_slice %arg6[%run_scoped3A, %mul3A_171, %dma_wait3A_186] : memref<2x784x128xf32, #tpu.memory_space<hbm>> -> memref<1x49x128xf32, #tpu.memory_space<hbm>>
        %dma_wait3A_188 = tpu.memref_squeeze %dma_wait3A_187 : memref<1x49x128xf32, #tpu.memory_space<hbm>> -> memref<49x128xf32, #tpu.memory_space<hbm>>
        %dma_wait3A_189 = arith.constant 0 : i32
        %dma_wait3A_190 = tpu.memref_slice %arg6[%run_scoped3A, %mul3A_171, %dma_wait3A_189] : memref<2x784x128xf32, #tpu.memory_space<hbm>> -> memref<1x49x128xf32, #tpu.memory_space<hbm>>
        %dma_wait3A_191 = tpu.memref_squeeze %dma_wait3A_190 : memref<1x49x128xf32, #tpu.memory_space<hbm>> -> memref<49x128xf32, #tpu.memory_space<hbm>>
        %dma_wait3A_192 = arith.constant 0 : i32
        %dma_wait3A_193 = arith.constant 0 : i32
        %dma_wait3A_194 = tpu.memref_slice %arg11[%dma_wait3A_192, %dma_wait3A_193] : memref<784x128xf32, #tpu.memory_space<vmem>> -> memref<49x128xf32, #tpu.memory_space<vmem>>
        tpu.wait_dma2 semaphore(%run_scoped3A_172 : memref<!tpu.dma_semaphore, #tpu.memory_space<semaphore_mem>>) src(%dma_wait3A_194 : memref<49x128xf32, #tpu.memory_space<vmem>>) dst(%dma_wait3A_191 : memref<49x128xf32, #tpu.memory_space<hbm>>)
        tpu.yield
      }) : () -> ()
    } else {
    }
    return
  }
}

module attributes {stable_mosaic.version = 14 : i64} {
  func.func @_tc_loss_body(%arg0: memref<2x784x128xf32, #tpu.memory_space<vmem>>, %arg1: memref<784x128xf32, #tpu.memory_space<vmem>>, %arg2: memref<784x128xf32, #tpu.memory_space<vmem>>, %arg3: memref<1x1xf32, #tpu.memory_space<smem>>) attributes {dimension_semantics = [], scalar_prefetch = 0 : i64, scratch_operands = 0 : i64, tpu.core_type = #tpu.core_type<tc>} {
    %get3A = arith.constant 0 : index
    %get3A_0 = arith.constant 0 : index
    %get3A_1 = arith.constant 0 : index
    %get3A_2 = vector.load %arg0[%get3A, %get3A_0, %get3A_1] : memref<2x784x128xf32, #tpu.memory_space<vmem>>, vector<1x784x128xf32>
    %get3A_3 = vector.shape_cast %get3A_2 : vector<1x784x128xf32> to vector<784x128xf32>
    %get3A_4 = arith.constant 1 : index
    %get3A_5 = arith.constant 0 : index
    %get3A_6 = arith.constant 0 : index
    %get3A_7 = vector.load %arg0[%get3A_4, %get3A_5, %get3A_6] : memref<2x784x128xf32, #tpu.memory_space<vmem>>, vector<1x784x128xf32>
    %get3A_8 = vector.shape_cast %get3A_7 : vector<1x784x128xf32> to vector<784x128xf32>
    %get3A_9 = arith.constant 0 : index
    %get3A_10 = arith.constant 0 : index
    %get3A_11 = vector.load %arg1[%get3A_9, %get3A_10] : memref<784x128xf32, #tpu.memory_space<vmem>>, vector<784x128xf32>
    %get3A_12 = arith.constant 0 : index
    %get3A_13 = arith.constant 0 : index
    %get3A_14 = vector.load %arg2[%get3A_12, %get3A_13] : memref<784x128xf32, #tpu.memory_space<vmem>>, vector<784x128xf32>
    %gt3A = arith.constant 5.000000e-01 : f32
    %gt3A_15 = vector.broadcast %gt3A : f32 to vector<784x128xf32>
    %gt3A_16 = arith.cmpf ogt, %get3A_14, %gt3A_15 : vector<784x128xf32>
    %convert_element_type3A = arith.extui %gt3A_16 : vector<784x128xi1> to vector<784x128xi32>
    %convert_element_type3A_17 = arith.sitofp %convert_element_type3A : vector<784x128xi32> to vector<784x128xf32>
    %add3A = arith.constant 2.500000e-05 : f32
    %add3A_18 = vector.broadcast %add3A : f32 to vector<784x128xf32>
    %add3A_19 = arith.addf %get3A_3, %add3A_18 : vector<784x128xf32>
    %log3A = math.log %add3A_19 : vector<784x128xf32>
    %add3A_20 = arith.constant 2.500000e-05 : f32
    %add3A_21 = vector.broadcast %add3A_20 : f32 to vector<784x128xf32>
    %add3A_22 = arith.addf %add3A_21, %get3A_11 : vector<784x128xf32>
    %sub3A = arith.constant 1.000000e+00 : f32
    %sub3A_23 = vector.broadcast %sub3A : f32 to vector<784x128xf32>
    %sub3A_24 = arith.subf %sub3A_23, %convert_element_type3A_17 : vector<784x128xf32>
    %mul3A = arith.mulf %get3A_8, %sub3A_24 : vector<784x128xf32>
    %add3A_25 = arith.addf %add3A_22, %mul3A : vector<784x128xf32>
    %log3A_26 = math.log %add3A_25 : vector<784x128xf32>
    %sub3A_27 = arith.subf %log3A, %log3A_26 : vector<784x128xf32>
    %integer_pow3A = arith.mulf %sub3A_27, %sub3A_27 : vector<784x128xf32>
    %min3A = arith.constant 1.000000e+01 : f32
    %min3A_28 = vector.broadcast %min3A : f32 to vector<784x128xf32>
    %min3A_29 = arith.minimumf %integer_pow3A, %min3A_28 : vector<784x128xf32>
    %iota3A = tpu.iota {dimensions = array<i32: 0>} : vector<784x128xi32>
    %mul3A_30 = arith.constant 128 : i32
    %mul3A_31 = vector.broadcast %mul3A_30 : i32 to vector<784x128xi32>
    %mul3A_32 = arith.muli %iota3A, %mul3A_31 : vector<784x128xi32>
    %iota3A_33 = tpu.iota {dimensions = array<i32: 1>} : vector<784x128xi32>
    %add3A_34 = arith.addi %mul3A_32, %iota3A_33 : vector<784x128xi32>
    %lt3A = arith.constant 100000 : i32
    %lt3A_35 = vector.broadcast %lt3A : i32 to vector<784x128xi32>
    %lt3A_36 = arith.cmpi slt, %add3A_34, %lt3A_35 : vector<784x128xi32>
    %convert_element_type3A_37 = arith.extui %lt3A_36 : vector<784x128xi1> to vector<784x128xi32>
    %convert_element_type3A_38 = arith.sitofp %convert_element_type3A_37 : vector<784x128xi32> to vector<784x128xf32>
    %mul3A_39 = arith.mulf %min3A_29, %convert_element_type3A_17 : vector<784x128xf32>
    %reduce_sum3A = vector.shape_cast %mul3A_39 : vector<784x128xf32> to vector<1x784x128xf32>
    %reduce_sum3A_40 = arith.constant dense<0.000000e+00> : vector<1xf32>
    %reduce_sum3A_41 = vector.multi_reduction <add>, %reduce_sum3A, %reduce_sum3A_40 [1, 2] : vector<1x784x128xf32> to vector<1xf32>
    %reduce_sum3A_42 = vector.shape_cast %reduce_sum3A_41 : vector<1xf32> to vector<1x1x1xf32>
    %reduce_sum3A_43 = vector.extract %reduce_sum3A_42[0, 0, 0] : f32 from vector<1x1x1xf32>
    %reduce_sum3A_44 = vector.shape_cast %convert_element_type3A_17 : vector<784x128xf32> to vector<1x784x128xf32>
    %reduce_sum3A_45 = arith.constant dense<0.000000e+00> : vector<1xf32>
    %reduce_sum3A_46 = vector.multi_reduction <add>, %reduce_sum3A_44, %reduce_sum3A_45 [1, 2] : vector<1x784x128xf32> to vector<1xf32>
    %reduce_sum3A_47 = vector.shape_cast %reduce_sum3A_46 : vector<1xf32> to vector<1x1x1xf32>
    %reduce_sum3A_48 = vector.extract %reduce_sum3A_47[0, 0, 0] : f32 from vector<1x1x1xf32>
    %sub3A_49 = arith.constant 1.000000e+00 : f32
    %sub3A_50 = vector.broadcast %sub3A_49 : f32 to vector<784x128xf32>
    %sub3A_51 = arith.subf %sub3A_50, %convert_element_type3A_17 : vector<784x128xf32>
    %mul3A_52 = arith.mulf %min3A_29, %sub3A_51 : vector<784x128xf32>
    %mul3A_53 = arith.mulf %mul3A_52, %convert_element_type3A_38 : vector<784x128xf32>
    %reduce_sum3A_54 = vector.shape_cast %mul3A_53 : vector<784x128xf32> to vector<1x784x128xf32>
    %reduce_sum3A_55 = arith.constant dense<0.000000e+00> : vector<1xf32>
    %reduce_sum3A_56 = vector.multi_reduction <add>, %reduce_sum3A_54, %reduce_sum3A_55 [1, 2] : vector<1x784x128xf32> to vector<1xf32>
    %reduce_sum3A_57 = vector.shape_cast %reduce_sum3A_56 : vector<1xf32> to vector<1x1x1xf32>
    %reduce_sum3A_58 = vector.extract %reduce_sum3A_57[0, 0, 0] : f32 from vector<1x1x1xf32>
    %sub3A_59 = arith.constant 1.000000e+00 : f32
    %sub3A_60 = vector.broadcast %sub3A_59 : f32 to vector<784x128xf32>
    %sub3A_61 = arith.subf %sub3A_60, %convert_element_type3A_17 : vector<784x128xf32>
    %mul3A_62 = arith.mulf %sub3A_61, %convert_element_type3A_38 : vector<784x128xf32>
    %reduce_sum3A_63 = vector.shape_cast %mul3A_62 : vector<784x128xf32> to vector<1x784x128xf32>
    %reduce_sum3A_64 = arith.constant dense<0.000000e+00> : vector<1xf32>
    %reduce_sum3A_65 = vector.multi_reduction <add>, %reduce_sum3A_63, %reduce_sum3A_64 [1, 2] : vector<1x784x128xf32> to vector<1xf32>
    %reduce_sum3A_66 = vector.shape_cast %reduce_sum3A_65 : vector<1xf32> to vector<1x1x1xf32>
    %reduce_sum3A_67 = vector.extract %reduce_sum3A_66[0, 0, 0] : f32 from vector<1x1x1xf32>
    %add3A_68 = arith.constant 9.99999968E-21 : f32
    %add3A_69 = arith.addf %reduce_sum3A_48, %add3A_68 : f32
    %div3A = arith.divf %reduce_sum3A_43, %add3A_69 : f32
    %mul3A_70 = arith.constant 1.000000e+01 : f32
    %mul3A_71 = arith.mulf %div3A, %mul3A_70 : f32
    %add3A_72 = arith.constant 9.99999968E-21 : f32
    %add3A_73 = arith.addf %reduce_sum3A_67, %add3A_72 : f32
    %div3A_74 = arith.divf %reduce_sum3A_58, %add3A_73 : f32
    %add3A_75 = arith.addf %mul3A_71, %div3A_74 : f32
    %swap3A = arith.constant 0 : index
    %swap3A_76 = arith.constant 0 : index
    %swap3A_77 = memref.load %arg3[%swap3A, %swap3A_76] : memref<1x1xf32, #tpu.memory_space<smem>>
    memref.store %add3A_75, %arg3[%swap3A, %swap3A_76] : memref<1x1xf32, #tpu.memory_space<smem>>
    return
  }
}

</mosaic_0001>

<sc_bundles>
// kernel: kernel.4.cloned.1.call-start
scs
__scs_entry_jumppad:
0x0: {  	(pc) =	sbr.rel $0x88, $3  }
0x1: {  	(tag) =	ssettag $0x0;
	lr =	simm.s32 $0x1  }
0x2: {  	[smem:$0x3F9B] =	sst lr;
	_ =	strace $0xD0000000  }
0x3: {  	_ = 	snop  }
0x4: {  	_ = 	snop  }
0x5: {  	_ = 	snop  }
0x6: {  	_ = 	snop  }
0x7: {  	_ = 	snop  }
__scs_overlays_trampoline_lowered:
0x8: {  	[smem:$0x3FAA] =	sst s0  }
0x9: {  	[smem:$0x3FAB] =	sst s1  }
0xa: {  	[smem:$0x3FAC] =	sst s2  }
0xb: {  	[smem:$0x3FAD] =	sst s3  }
0xc: {  	[smem:$0x3FAE] =	sst s4  }
0xd: {  	[smem:$0x3FAF] =	sst s5  }
0xe: {  	[smem:$0x3FB0] =	sst s6  }
0xf: {  	[smem:$0x3FB1] =	sst s7  }
0x10: {  	[smem:$0x3FB2] =	sst s8  }
0x11: {  	[smem:$0x3FB3] =	sst s9;
	s0 =	simm.s32 @!p0 $0x0  }
0x12: {  	s1 =	sld [smem:$0x3F99];
	s0 =	simm.s32 @p0 $0x1  }
0x13: {  	[smem:$0x3FB4] =	sst s0;
	s0 =	simm.s32 @!p1 $0x0  }
0x14: {  	s2 =	sld [smem:$0x3F98];
	s0 =	simm.s32 @p1 $0x1  }
0x15: {  	[smem:$0x3FB5] =	sst s0;
	s0 =	simm.s32 @!p2 $0x0  }
0x16: {  	s3 =	sld [smem:$0x3FDB];
	s0 =	simm.s32 @p2 $0x1  }
0x17: {  	s4 =	simm.s32 $0x1BF5;
	[smem:$0x3FB7] =	sst s0  }
0x18: {  	s0 =	sld [smem:$0x3F9A];
	_ =	swait.ge [sflag:s4], $0x0  }
0x19: {  	s7 =	sld [smem:$0x3F9B]  }
0x1a: {  	s8 =	sadd.s32 $0xFFFFE003, lr  }
0x1b: {  	s9 =	sadd.s32 $0xFFFFFEF7, lr;
	s5 =	simm.s32 $0xFFFFFFFF;
	p2 =	slt.u32 s8, $0xFFFFF086  }
0x1c: {  	p1 =	slt.u32 s9, $0xF7A;
	s5 =	simm.s32 @!p2 $0x0  }
0x1d: {  	s5 =	simm.s32 @p1 $0x1;
	p0 =	seq.s32 s7, s2  }
0x1e: {  	s7 =	smul.u32 @!p0 $0xF7A, s2;
	p2 =	seq.s32 @!p0 s5, $0x0  }
0x1f: {  	s9 =	smul.u32 $0xF7A, s1;
	s8 =	simm.s32 @!p0 $0x1BF5;
	p2 =	por !p2, p0  }
0x20: {  	[sflag:s8] =	ssyncset.s32 @!p0 $0xFFFFF086;
	s6 =	sadd.s32 @!p0 s3, s7;
	s7 =	simm.s32 @!p0 $0x108  }
0x21: {  	s3 =	sadd.s32 s3, s9;
	s6 =	sadd.s32 @!p0 $0x88, s6;
	s7 =	simm.s32 @p2 $0x1082  }
0x22: {  	[simem:s7], [sflag:s8] =	dma.local @!p0 [hbm:s6], $0xF7A  }
0x23: {  	s9 =	sor.u32 $0xD0000000, s2;
	s6 =	simm.s32 $0x108;
	_ =	swait.ge @!p0 [sflag:s8], $0x0  }
0x24: {  	s3 =	sadd.s32 $0x88, s3;
	s6 =	simm.s32 @!p1 $0x1082;
	[sflag:s4] =	ssyncset.s32 $0xFFFFF086  }
0x25: {  	[simem:s6], [sflag:s4] =	dma.local [hbm:s3], $0xF7A  }
0x26: {  	[smem:$0x3F9B] =	sst s1;
	(tag) =	ssettag s2;
	_ =	strace s9  }
0x27: {  	s1 =	sld [smem:$0x3FAB]  }
0x28: {  	s2 =	sld [smem:$0x3FAC]  }
0x29: {  	s4 =	sld [smem:$0x3FAE]  }
0x2a: {  	p0 =	seq.s32 s5, $0x0;
	s5 =	sld [smem:$0x3FAF]  }
0x2b: {  	s6 =	sld [smem:$0x3FB0]  }
0x2c: {  	s7 =	sld [smem:$0x3FB1]  }
0x2d: {  	s3 =	simm.s32 $0x108;
	s8 =	sld [smem:$0x3FB2]  }
0x2e: {  	s3 =	simm.s32 @!p0 $0x1082;
	s9 =	sld [smem:$0x3FB3]  }
0x2f: {  	lr =	sadd.s32 s0, s3;
	s0 =	sld [smem:$0x3FAA]  }
0x30: {  	s3 =	sld [smem:$0x3FAD]  }
0x31: {  	[smem:$0x3FB6] =	sst s10  }
0x32: {  	s10 =	sld [smem:$0x3FB4];
	_ =	sdelay $0x3  }
0x33: {  	p0 =	seq.s32 s10, $0x1;
	s10 =	sld [smem:$0x3FB6];
	_ =	sdelay $0x3  }
0x34: {  	[smem:$0x3FB6] =	sst s10  }
0x35: {  	s10 =	sld [smem:$0x3FB5];
	_ =	sdelay $0x3  }
0x36: {  	p1 =	seq.s32 s10, $0x1;
	s10 =	sld [smem:$0x3FB6];
	_ =	sdelay $0x3  }
0x37: {  	[smem:$0x3FB6] =	sst s10  }
0x38: {  	s10 =	sld [smem:$0x3FB7]  }
0x39: {  	_ = 	snop;
	(pc) =	sbr.ind lr, $3  }
0x3a: {  	_ = 	snop  }
0x3b: {  	_ = 	snop  }
0x3c: {  	p2 =	seq.s32 s10, $0x1;
	s10 =	sld [smem:$0x3FB6]  }
0x3d: {  	_ =	shalt  }
0x3e: {  	_ =	shalt  }
0x3f: {  	_ =	shalt  }
0x40: {  	_ =	shalt  }
0x41: {  	_ =	shalt  }
0x42: {  	_ =	shalt  }
0x43: {  	_ =	shalt  }
0x44: {  	_ =	shalt  }
0x45: {  	_ =	shalt  }
0x46: {  	_ =	shalt  }
0x47: {  	_ =	shalt  }
0x48: {  	_ =	shalt  }
0x49: {  	_ =	shalt  }
0x4a: {  	_ =	shalt  }
0x4b: {  	_ =	shalt  }
0x4c: {  	_ =	shalt  }
0x4d: {  	_ =	shalt  }
0x4e: {  	_ =	shalt  }
0x4f: {  	_ =	shalt  }
0x50: {  	_ =	shalt  }
0x51: {  	_ =	shalt  }
0x52: {  	_ =	shalt  }
0x53: {  	_ =	shalt  }
0x54: {  	_ =	shalt  }
0x55: {  	_ =	shalt  }
0x56: {  	_ =	shalt  }
0x57: {  	_ =	shalt  }
0x58: {  	_ =	shalt  }
0x59: {  	_ =	shalt  }
0x5a: {  	_ =	shalt  }
0x5b: {  	_ =	shalt  }
0x5c: {  	_ =	shalt  }
0x5d: {  	_ =	shalt  }
0x5e: {  	_ =	shalt  }
0x5f: {  	_ =	shalt  }
0x60: {  	_ =	shalt  }
0x61: {  	_ =	shalt  }
0x62: {  	_ =	shalt  }
0x63: {  	_ =	shalt  }
0x64: {  	_ =	shalt  }
0x65: {  	_ =	shalt  }
0x66: {  	_ =	shalt  }
0x67: {  	_ =	shalt  }
0x68: {  	_ =	shalt  }
0x69: {  	_ =	shalt  }
0x6a: {  	_ =	shalt  }
0x6b: {  	_ =	shalt  }
0x6c: {  	_ =	shalt  }
0x6d: {  	_ =	shalt  }
0x6e: {  	_ =	shalt  }
0x6f: {  	_ =	shalt  }
0x70: {  	_ =	shalt  }
0x71: {  	_ =	shalt  }
0x72: {  	_ =	shalt  }
0x73: {  	_ =	shalt  }
0x74: {  	_ =	shalt  }
0x75: {  	_ =	shalt  }
0x76: {  	_ =	shalt  }
0x77: {  	_ =	shalt  }
0x78: {  	_ =	shalt  }
0x79: {  	_ =	shalt  }
0x7a: {  	_ =	shalt  }
0x7b: {  	_ =	shalt  }
0x7c: {  	_ =	shalt  }
0x7d: {  	_ =	shalt  }
0x7e: {  	_ =	shalt  }
0x7f: {  	_ =	shalt  }
0x80: {  	_ =	shalt  }
0x81: {  	_ =	shalt  }
0x82: {  	_ =	shalt  }
0x83: {  	_ =	shalt  }
0x84: {  	_ =	shalt  }
0x85: {  	_ =	shalt  }
0x86: {  	_ =	shalt  }
0x87: {  	_ =	shalt  }
.Lfunc_end0:
.L_simem_size_0:
called_computation_lowered:
.L_overlay_start_0:
0x88: {  	s2 =	sld [smem:$0x3FD9]  }
0x89: {  	s3 =	sld [smem:$0x3FFE];
	_ =	sdelay $0x1  }
0x8a: {  	s1 =	srdreg.scid  }
0x8b: {  	s0 =	sand.u32 $0x1, s1  }
0x8c: {  	s17 =	sshll.u32 s0, $0xA;
	s2 =	sadd.s32 s3, s2  }
0x8d: {  	s2 =	sadd.s32 s2, s17  }
0x8e: {  	[smem:$0x3FC2] =	sst s2  }
0x8f: {  	_ = 	snop  }
0x90: {  	s2 =	sld [smem:$0x3FC9]  }
0x91: {  	s18 =	sld [smem:$0x3FC8]  }
0x92: {  	s4 =	sld [smem:$0x3FC7]  }
0x93: {  	s5 =	sld [smem:$0x3FC6];
	(tm) =	ssettm $0x1  }
0x94: {  	s6 =	sld [smem:$0x3FFB];
	_ =	sdelay $0x3  }
0x95: {  	_ =	strace s6  }
0x96: {  	s6 =	sld [smem:$0x3FFC];
	_ =	sdelay $0x3  }
0x97: {  	_ =	strace s6  }
0x98: {  	s6 =	sld [smem:$0x3FFD];
	_ =	sdelay $0x3  }
0x99: {  	_ =	strace s6  }
0x9a: {  	_ =	strace $0x8FFFFFFF  }
0x9b: {  	s19 =	sld [smem:$0x3FDB];
	_ =	sdelay $0x1  }
0x9c: {  	s7 =	simm.s32 $_scs_section_size  }
0x9d: {  	s8 =	simm.s32 $_size__tile_overlayer_lowered;
	s9 =	simm.s32 $_tile_overlayer_lowered  }
0x9e: {  	s22 =	simm.s32 $0x1BFF;
	s21 =	sshll.u32 s9, $0x1;
	s6 =	sadd.s32 s7, s19  }
0x9f: {  	s10 =	simm.s32 $0x0;
	s20 =	sshll.u32 s8, $0x1;
	s8 =	sadd.s32 s21, s6  }
0xa0: {  	[timem:s10], [sflag:s22] =	dma.local [hbm:s8], s20  }
0xa1: {  	_ =	swait.ge [sflag:s22], s20  }
0xa2: {  	s7 =	ssub.s32 $0x0, s20;
	[sflag:s22] =	ssyncset.done $0x0  }
0xa3: {  	[sflag:s22] =	ssyncadd.s32 s7;
	_ =	sdelay $0x1  }
0xa4: {  	s23 =	simm.s32 $0x1B8B  }
0xa5: {  	_ =	swait.ge [sflag:s23], $0x1  }
0xa6: {  	[sflag:s23] =	ssyncset.done $0x0  }
0xa7: {  	s25 =	simm.s32 $0x1B8E;
	s24 =	sld [smem:$0x3FFE];
	[sflag:s23] =	ssyncadd.s32 $0xFFFFFFFF  }
0xa8: {  	s26 =	simm.s32 $execute0_lowered;
	[smem:$0x3FD2] =	sst s25  }
0xa9: {  	s8 =	sshll.u32 s26, $0x1;
	_ =	strace $0x80000046;
	[dreg:$0x1] =	wrdreg $0xFFFFFFFF  }
0xaa: {  	s28 =	simm.s32 $_size_execute0_lowered;
	s6 =	sadd.s32 s6, s8;
	[dreg:$0x0] =	wrdreg $0x0  }
0xab: {  	s8 =	sshll.u32 s28, $0x1;
	[dreg:$0x2] =	wrdreg s6  }
0xac: {  	[dreg:$0x3] =	wrdreg s8  }
0xad: {  	[dreg:$0x4] =	wrdreg $0xC0  }
0xae: {  	_ =	task [dreg:s10], $0x5FFFF  }
0xaf: {  	[dreg:$0x1] =	wrdreg $0xFFFFFFFF  }
0xb0: {  	[dreg:$0x0] =	wrdreg $0x60  }
0xb1: {  	[dreg:$0x2] =	wrdreg s2  }
0xb2: {  	[dreg:$0x3] =	wrdreg s18  }
0xb3: {  	[dreg:$0x4] =	wrdreg s4  }
0xb4: {  	[dreg:$0x5] =	wrdreg s5  }
0xb5: {  	[dreg:$0x6] =	wrdreg s24  }
0xb6: {  	[dreg:$0x7] =	wrdreg $0x1C6D00  }
0xb7: {  	[dreg:$0x8] =	wrdreg $0x9  }
0xb8: {  	_ =	task.clear_ibuf [dreg:s10], $0x9FFFF;
	_ =	strace $0x90000046  }
0xb9: {  	s29 =	simm.s32 $0x9;
	_ =	strace $0x80000048  }
0xba: {  	_ =	swait.ge [sflag:s29], $0x1  }
0xbb: {  	[sflag:s29] =	ssyncadd.s32 $0xFFFFFFFF  }
0xbc: {  	_ =	strace $0x90000048  }
0xbd: {  	_ =	sfence  }
0xbe: {  	s30 =	sld [smem:$0x0];
	_ =	sdelay $0x2  }
0xbf: {  	s31 =	sshll.u32 s1, $0xD;
	s1 =	sshrl.u32 s1, $0x2  }
0xc0: {  	s3 =	sand.u32 $0x4000, s31;
	s1 =	sadd.s32 s1, s30  }
0xc1: {  	s0 =	sor.u32 s3, s0;
	s1 =	sshll.u32 s1, $0x11  }
0xc2: {  	s0 =	sor.u32 s1, s0  }
0xc3: {  	s0 =	sadd.s32 $0x8F2B, s0  }
0xc4: {  	[sflag:s0] =	ssyncadd.remote.s32 $0x1  }
0xc5: {  	_ =	sfence.sel $0xFFFF  }
0xc6: {  	[dreg:$0x0] =	wrdreg $0xFFFFFFFF;
	(pc) =	sbr.abs _section_cstart, $3  }
0xc7: {  	[dreg:$0x1] =	wrdreg $0xFFFFFFFF  }
0xc8: {  	_ =	task.clear_ibuf [dreg:s10], $0x2FFFF;
	_ =	strace $0x9FFFFFFF  }
0xc9: {  	(tm) =	ssettm $0x7FFFFFFF  }
tec
execute0_lowered:
.L_overlay_start_1:
0x0: {  	(tag) =	ssettag $0x1  }
0x1: {  	s0 =	rddreg [dreg:$0x0]  }
0x2: {  	s1 =	rddreg [dreg:$0x1]  }
0x3: {  	s3 =	rddreg [dreg:$0x2]  }
0x4: {  	s5 =	rddreg [dreg:$0x3]  }
0x5: {  	s2 =	rddreg [dreg:$0x4]  }
0x6: {  	s6 =	rddreg [dreg:$0x5]  }
0x7: {  	s10 =	stileid.u32;
	s4 =	srdreg.scid  }
0x8: {  	s7 =	simm.s32 $0x0;
	s19 =	simm.s32 $0x3;
	s22 =	simm.s32 $0xFA0  }
0x9: {  	s23 =	simm.s32 $0x2EF0;
	s24 =	simm.s32 $0x3EA0;
	s25 =	simm.s32 $0x1  }
0xa: {  	s26 =	simm.s32 $0x2;
	s28 =	simm.s32 $0x10;
	s29 =	simm.s32 $0x1C6C0  }
0xb: {  	s30 =	simm.s32 $0x0;
	s8 =	smul.u32 $0x1880, s10;
	s4 =	sand.u32 $0x1, s4  }
0xc: {  	[smem:$0x7FF] =	sst s7;
	s10 =	smul.u32 $0x30D40, s10;
	s17 =	smov.u32 s5  }
0xd: {  	s15 =	smov.u32 s3;
	p0 =	seq.s32 s4, $0x0;
	s11 =	ssub.s32 $0x2, s4  }
0xe: {  	_ =	strace $0x80000047;
	s9 =	sadd.s32 $0x18800, s8;
	s31 =	sshrl.u32 s11, $0x1  }
0xf: {  	s14 =	sshrl.u32 s10, $0x3;
	s17 =	smov.u32 @p0 s1;
	s15 =	smov.u32 @p0 s0  }
0x10: {  	s9 =	smov.u32 @p0 s8;
	s11 =	ssub.s32 s11, s31;
	s16 =	sadd.s32 $0x1F4, s14  }
.Ltmp0:
0x11: {  	s8 =	sadd.s32 s8, s6;
	s12 =	sadd.s32 s17, s14;
	(pc) =	sbr.rel .LBB2_1-.Ltmp0, $4  }
0x12: {  	s14 =	sadd.s32 s15, s14;
	p0 =	sne.s32 s4, $0x0;
	s9 =	sshrl.u32 s9, $0x3  }
0x13: {  	s11 =	smax.u32 s11, $0x1;
	s13 =	sadd.s32 $0x61A6, s12;
	s15 =	sadd.s32 s15, s16  }
0x14: {  	v0 =	vimm.f32 $0.0e+00;
	s16 =	sadd.s32 s17, s16;
	s2 =	sadd.s32 s9, s2;
	s9 =	sadd.s32 $0x1F40, s10  }
0x15: {  	vm12 =	vcmask $0x3F3C;
	vm1 =	vmmov $0x7fff;
	v1 =	vlaneseq.u32;
	s10 =	sadd.s32 $0x2EE0, s10;
	[dreg:$0x7] =	wrdreg s11;
	s17 =	sadd.s32 $0xC00, s2  }
.LBB2_31:
0x16: {  	[sflag:s19] =	ssyncadd.s32 $0xFFFFF800  }
.LBB2_32:
0x17: {  	[bflag:$0x0] =	sbarrier.arrive $0xFFFF  }
0x18: {  	[tilespmem:s24], [sflag:$0x3] =	stream.linear.gather [spmem:s8], $0x1880, $0x38;
	[tilespmem:$0x1DF50] =	vst v63  }
0x19: {  	_ =	swait.ge [sflag:s19], $0x1880  }
0x1a: {  	[sflag:s19] =	ssyncset.done $0x0  }
0x1b: {  	[sflag:s19] =	ssyncadd.s32 $0xFFFFE780  }
0x1c: {  	[hbm4b:s17+s7] =	stream.linear.scatter [tilespmem:s24], [sflag:$0x3], $0x1880, $0x38;
	[tilespmem:$0x1DF50] =	vst v63  }
0x1d: {  	_ =	swait.ge [sflag:s19], $0x1880  }
0x1e: {  	s30 =	sadd.s32 $0x1, s30;
	s2 =	rddreg [dreg:$0x7]  }
0x1f: {  	p1 =	sne.s32 s30, s2  }
.Ltmp1:
0x20: {  	_ = 	snop;
	(pc) =	sbr.rel @!p1 .LBB2_33-.Ltmp1, $3  }
0x21: {  	_ =	sdelay $0x1  }
0x22: {  	[sflag:s19] =	ssyncset.done $0x0  }
0x23: {  	[sflag:s19] =	ssyncadd.s32 $0xFFFFE780  }
.LBB2_1:
0x24: {  	s2 =	simm.s32 $0x1C6A0  }
0x25: {  	[tilespmem:s2], [sflag:$0x3] =	stream.linear.gather [hbm4b:s12+s7], $0x10, $0x38;
	[tilespmem:$0x1DF50] =	vst v63  }
0x26: {  	_ =	swait.ge [sflag:s19], $0x10  }
0x27: {  	[sflag:s19] =	ssyncset.done $0x0  }
0x28: {  	s21 =	simm.s32 $0x1C6B0;
	[sflag:s19] =	ssyncadd.s32 $0xFFFFFFF0  }
0x29: {  	[tilespmem:s21], [sflag:$0x3] =	stream.linear.gather [hbm4b:s13+s7], $0x10, $0x38;
	[tilespmem:$0x1DF50] =	vst v63  }
0x2a: {  	_ =	swait.ge [sflag:s19], $0x10  }
0x2b: {  	[sflag:s19] =	ssyncset.done $0x0  }
0x2c: {  	[sflag:s19] =	ssyncadd.s32 $0xFFFFFFF0  }
0x2d: {  	[tilespmem:s7], [sflag:$0x1] =	stream.linear.gather [hbm4b:s14+s7], $0xFA0, $0x38;
	[tilespmem:$0x1DF50] =	vst v63  }
0x2e: {  	s31 =	simm.s32 $0x1F40  }
0x2f: {  	[tilespmem:s31], [sflag:$0x1] =	stream.linear.gather [hbm4b:s12+s7], $0xFA0, $0x38;
	[tilespmem:$0x1DF50] =	vst v63  }
0x30: {  	_ = 	snop  }
0x31: {  	[tilespmem:s22], [sflag:$0x2] =	stream.linear.gather [hbm4b:s15+s7], $0xFA0, $0x38;
	[tilespmem:$0x1DF50] =	vst v63  }
0x32: {  	_ = 	snop  }
0x33: {  	[tilespmem:s23], [sflag:$0x2] =	stream.linear.gather [hbm4b:s16+s7], $0xFA0, $0x38;
	[tilespmem:$0x1DF50] =	vst v63  }
0x34: {  	v3 =	vld [tilespmem:$0x1C6A0]  }
0x35: {  	s4 =	simm.s32 $0x200;
	s2 =	simm.s32 $0x0;
	v2 =	vld [tilespmem:$0x1C6B0]  }
.LBB2_2:
0x36: {  	p1 =	sne.s32 s4, $0x6000;
	[tilespmem:s2+$0x3F10] =	vst v0  }
0x37: {  	[tilespmem:s2+$0x3EA0] =	vst v0  }
0x38: {  	[tilespmem:s2+$0x3EB0] =	vst v0  }
.Ltmp2:
0x39: {  	[tilespmem:s2+$0x3EC0] =	vst v0;
	(pc) =	sbr.rel @p1 .LBB2_2-.Ltmp2, $4  }
0x3a: {  	[tilespmem:s2+$0x3ED0] =	vst v0  }
0x3b: {  	[tilespmem:s2+$0x3EE0] =	vst v0  }
0x3c: {  	[tilespmem:s2+$0x3EF0] =	vst v0  }
0x3d: {  	[tilespmem:s2+$0x3F00] =	vst v0;
	s2 =	sshra.s32 s4, $0x2;
	s4 =	sadd.s32 $0x200, s4  }
0x3e: {  	v3 =	vxor.u32 $0x80000000, v3  }
0x3f: {  	v2 =	vxor.u32 $0x80000000, v2;
	(xrf0) =	vmin.scan.msk.u32 $0xffff, v3  }
0x40: {  	(xrf0) =	vmax.scan.msk.u32 $0xffff, v2;
	_ =	sdelay $0x4  }
0x41: {  	v2, _, _ =	vpop (xrf0)  }
0x42: {  	(v2sf) =	vpush v2, $0xF;
	v2, _, _ =	vpop (xrf0)  }
0x43: {  	(v2sf) =	vpush v2, $0xF;
	_ =	sdelay $0x9  }
0x44: {  	[tilespmem:s2+$0x3F10] =	vst v0  }
0x45: {  	[tilespmem:s2+$0x3EA0] =	vst v0  }
0x46: {  	[tilespmem:s2+$0x3EB0] =	vst v0  }
0x47: {  	[tilespmem:s2+$0x3EC0] =	vst v0  }
0x48: {  	[tilespmem:s2+$0x3ED0] =	vst v0;
	s4 =	spop (v2sf)  }
0x49: {  	[tilespmem:s2+$0x3EE0] =	vst v0;
	s11 =	spop (v2sf)  }
0x4a: {  	[tilespmem:s2+$0x3EF0] =	vst v0;
	s4 =	sshrl.u32 s4, $0xB;
	s11 =	sshrl.u32 s11, $0xB  }
0x4b: {  	[tilespmem:s2+$0x3F00] =	vst v0;
	s4 =	sxor.u32 $0x100000, s4;
	s2 =	sxor.u32 $0x100000, s11  }
0x4c: {  	s31 =	sshll.u32 s4, $0x4;
	s18 =	sshll.u32 s2, $0x4  }
0x4d: {  	p1 =	sgt.u32 s31, s18  }
.Ltmp3:
0x4e: {  	_ = 	snop;
	(pc) =	sbr.rel @p1 .LBB2_7-.Ltmp3, $4  }
0x4f: {  	[spmem:s8] =	stream.linear.scatter [tilespmem:s24], [sflag:$0x3], $0x1880, $0x38;
	[tilespmem:$0x1DF50] =	vst v63  }
0x50: {  	_ =	swait.ge [sflag:s19], $0x1880  }
0x51: {  	[sflag:s19] =	ssyncset.done $0x0  }
0x52: {  	[sflag:s19] =	ssyncadd.s32 $0xFFFFE780  }
0x53: {  	s11 =	sshll.u32 s4, $0xD  }
0x54: {  	s11 =	sshra.s32 s11, $0x2  }
0x55: {  	s11 =	sadd.s32 $0x3EE0, s11  }
0x56: {  	s18 =	sadd.s32 $0x10, s18;
	s20 =	sadd.s32 $0x1, s31;
	[tilespmem:s11+$0xFFFFFFC0] =	vst v0  }
0x57: {  	p1 =	slt.u32 s20, s18;
	[tilespmem:s11+$0x30] =	vst v0  }
.Ltmp4:
0x58: {  	[tilespmem:s11+$0x20] =	vst v0;
	(pc) =	sbr.rel @!p1 .LBB2_6-.Ltmp4, $4  }
0x59: {  	[tilespmem:s11+$0x10] =	vst v0  }
0x5a: {  	[tilespmem:s11+$0x0] =	vst v0  }
0x5b: {  	[tilespmem:s11+$0xFFFFFFF0] =	vst v0  }
0x5c: {  	[tilespmem:s11+$0xFFFFFFE0] =	vst v0  }
.LBB2_5:
0x5d: {  	s20 =	sadd.s32 $0x1, s20;
	[tilespmem:s11+$0xFFFFFFD0] =	vst v0;
	s11 =	sadd.s32 $0x80, s11  }
0x5e: {  	[tilespmem:s11+$0xFFFFFFC0] =	vst v0;
	p1 =	slt.u32 s20, s18  }
0x5f: {  	[tilespmem:s11+$0x30] =	vst v0  }
.Ltmp5:
0x60: {  	[tilespmem:s11+$0x20] =	vst v0;
	(pc) =	sbr.rel @p1 .LBB2_5-.Ltmp5, $4  }
0x61: {  	[tilespmem:s11+$0x10] =	vst v0  }
0x62: {  	[tilespmem:s11+$0x0] =	vst v0  }
0x63: {  	[tilespmem:s11+$0xFFFFFFF0] =	vst v0  }
0x64: {  	[tilespmem:s11+$0xFFFFFFE0] =	vst v0  }
.LBB2_6:
0x65: {  	[tilespmem:s11+$0xFFFFFFD0] =	vst v0  }
.LBB2_7:
.Ltmp6:
0x66: {  	(pc) =	sbr.rel @p0 .LBB2_18-.Ltmp6, $2  }
0x67: {  	_ =	sdelay $0x2  }
0x68: {  	s18 =	simm.s32 $0x0  }
.LBB2_8:
0x69: {  	_ =	swait.ge [sflag:s25], $0xFA0  }
0x6a: {  	[sflag:s25] =	ssyncset.done $0x0  }
0x6b: {  	[sflag:s25] =	ssyncadd.s32 $0xFFFFF060  }
0x6c: {  	_ =	swait.ge [sflag:s25], $0xFA0  }
0x6d: {  	[sflag:s25] =	ssyncset.done $0x0  }
0x6e: {  	s20 =	simm.s32 $0x40;
	[sflag:s25] =	ssyncadd.s32 $0xFFFFF060  }
0x6f: {  	v3 =	vld [tilespmem:s20+$0x0]  }
0x70: {  	v4 =	vld [tilespmem:s20+$0x20];
	_ =	sdelay $0x3  }
0x71: {  	v5 =	vld [tilespmem:s20+$0x10];
	v11 =	vmul.f32 $1.442695020e+00, v3  }
0x72: {  	s11 =	simm.s32 $0x1F80;
	v12 =	vmul.f32 $1.442695020e+00, v4  }
0x73: {  	v6 =	vld [tilespmem:s11+$0x20];
	(erf) = vpow2.f32 v11  }
0x74: {  	v2 =	vld [tilespmem:s11+$0xFFFFFFE1];
	(erf) = vpow2.f32 v12  }
0x75: {  	v8 =	vld [tilespmem:s20+$0xFFFFFFC0]  }
0x76: {  	v9 =	vld [tilespmem:s20+$0x30];
	v5 =	vmul.f32 $1.442695020e+00, v5  }
0x77: {  	v10 =	vld [tilespmem:s20+$0xFFFFFFD0]  }
0x78: {  	v7 =	vld [tilespmem:s11+$0x21];
	(erf) = vpow2.f32 v5  }
0x79: {  	v13 =	vld [tilespmem:s20+$0xFFFFFFE0]  }
0x7a: {  	v15 =	vld [tilespmem:s20+$0xFFFFFFF0];
	v8 =	vmul.f32 $1.442695020e+00, v8  }
0x7b: {  	v16 =	vld [tilespmem:s11+$0x10];
	v5 =	vmul.f32 $1.442695020e+00, v9  }
0x7c: {  	v14 =	vld [tilespmem:s11+$0x0];
	v11 =	vmul.f32 $1.442695020e+00, v10;
	(erf) = vpow2.f32 v8;
	v17 =	vpop (erf)  }
0x7d: {  	v3 =	vld [tilespmem:s11+$0xFFFFFFE0];
	(erf) = vpow2.f32 v5;
	v18 =	vpop (erf)  }
0x7e: {  	v4 =	vld [tilespmem:s11+$0x31];
	(erf) = vpow2.f32 v11;
	(xrf2) =	vadd.scan.msk.f32 $0xffff, v18  }
0x7f: {  	v20 =	vmul.f32 $1.442695020e+00, v15;
	v15 =	vld [tilespmem:s11+$0xFFFFFFD1]  }
0x80: {  	v10 =	vld [tilespmem:s11+$0x11]  }
0x81: {  	v12 =	vld [tilespmem:s11+$0x1];
	v19 =	vpop (erf)  }
0x82: {  	vm3 =	vne.s32 v6, v7;
	v13 =	vmul.f32 $1.442695020e+00, v13;
	v9 =	vld [tilespmem:s11+$0x30];
	(xrf2) =	vadd.scan.msk.f32 $0xffff, v19  }
0x83: {  	vm5 =	vmor vm3, vm12;
	v8 =	vld [tilespmem:s11+$0xFFFFFFF1]  }
0x84: {  	v11 =	vld [tilespmem:s11+$0xFFFFFFF0];
	(erf) = vpow2.f32 v13  }
0x85: {  	v5 =	vld [tilespmem:s11+$0xFFFFFFC1];
	(erf) = vpow2.f32 v20;
	v18 =	vpop (erf);
	(xrf2) =	vadd.scan.msk.f32 $0xffff, v17  }
0x86: {  	vm4 =	vmand vm3, vm1;
	vm2 =	vne.s32 v3, v2;
	vm6 =	vne.s32 v16, v10;
	v13 =	vld [tilespmem:s11+$0xFFFFFFC0];
	v19 =	vpop (erf)  }
0x87: {  	s21 =	simm.s32 $0x2000;
	s20 =	simm.s32 $0x0;
	vm7 =	vmor vm6, vm12;
	vm8 =	vne.s32 v14, v12;
	vm3 =	vne.s32 v9, v4;
	v17 =	vld [tilespmem:s11+$0xFFFFFFD0];
	s11 =	simm.s32 $0xC0;
	v20 =	vpop (erf)  }
.LBB2_9:
0x88: {  	v21 =	vld [tilespmem:s21+$0x20];
	s20 =	sadd.s32 $0x8, s20;
	vm9 =	vmor vm8, vm12;
	(xrf2) =	vadd.scan.msk.f32 $0xffff, v20;
	v20, _, _ =	vpop (xrf2)  }
0x89: {  	vm0 =	vcmask $0x3F3C;
	p1 =	slt.u32 s20, $0xF0;
	vm12 =	vne.s32 v11, v8;
	[tilespmem:v6+s24+$0x0] =	vst.idx.add.f32.msk vm5, v20  }
0x8a: {  	v22 =	vld [tilespmem:s21+$0xFFFFFFE1];
	vm5 =	vmor vm12, vm0  }
0x8b: {  	vm11 =	vmand vm8, vm1;
	v25 =	vsub.f32 $0.0e+00, v20;
	v23 =	vld [tilespmem:s21+$0x21];
	vm13 =	vne.s32 v13, v5;
	(xrf2) =	vadd.scan.msk.f32 $0xffff, v19  }
0x8c: {  	vm0 =	vcmask $0x3F3C;
	v19 =	vld [tilespmem:s11+$0x10];
	vm14 =	vne.s32 v17, v15;
	v20, _, _ =	vpop (xrf2)  }
0x8d: {  	vm8 =	vmor vm13, vm0;
	vm0 =	vcmask $0x3F3C;
	[tilespmem:v7+s24+$0x0] =	vst.idx.add.f32.msk vm4, v25;
	v24 =	vpop (erf);
	v6 =	vmov v21  }
0x8e: {  	vm10 =	vmand vm6, vm1;
	vm4 =	vmor vm2, vm0;
	v21 =	vld [tilespmem:s21+$0xFFFFFFE0];
	(xrf2) =	vadd.scan.msk.f32 $0xffff, v18;
	v18 =	vpop (erf)  }
0x8f: {  	v25 =	vld [tilespmem:s11+$0xFFFFFFD0];
	v26, _, _ =	vpop (xrf2)  }
0x90: {  	vm0 =	vcmask $0x3F3C;
	[tilespmem:v16+s24+$0x0] =	vst.idx.add.f32.msk vm7, v20;
	v7 =	vmov v23  }
0x91: {  	vm15 =	vmor vm14, vm0;
	v16 =	vld [tilespmem:s11+$0x30];
	(xrf2) =	vadd.scan.msk.f32 $0xffff, v24  }
0x92: {  	vm14 =	vmand vm14, vm1;
	vm0 =	vcmask $0x3F3C;
	v23 =	vld [tilespmem:s11+$0xFFFFFFC0];
	v24, _, _ =	vpop (xrf2)  }
0x93: {  	vm6 =	vmand vm12, vm1;
	vm0 =	vmor vm3, vm0;
	v27 =	vld [tilespmem:s11+$0x0];
	v28 =	vsub.f32 $0.0e+00, v24  }
0x94: {  	vm12 =	vcmask $0x3F3C;
	[tilespmem:v14+s24+$0x0] =	vst.idx.add.f32.msk vm9, v26;
	v14 =	vsub.f32 $0.0e+00, v26;
	(xrf2) =	vadd.scan.msk.f32 $0xffff, v18  }
0x95: {  	vm7 =	vmand vm13, vm1;
	v18 =	vld [tilespmem:s11+$0x20];
	v26, _, _ =	vpop (xrf2)  }
0x96: {  	[tilespmem:v12+s24+$0x0] =	vst.idx.add.f32.msk vm11, v14  }
0x97: {  	v12 =	vmul.f32 $1.442695020e+00, v25;
	[tilespmem:v17+s24+$0x0] =	vst.idx.add.f32.msk vm15, v24  }
0x98: {  	vm2 =	vmand vm2, vm1;
	v14 =	vmul.f32 $1.442695020e+00, v27;
	[tilespmem:v15+s24+$0x0] =	vst.idx.add.f32.msk vm14, v28;
	v15, _, _ =	vpop (xrf2)  }
0x99: {  	vm3 =	vmand vm3, vm1;
	v17 =	vsub.f32 $0.0e+00, v20;
	[tilespmem:v9+s24+$0x0] =	vst.idx.add.f32.msk vm0, v26  }
0x9a: {  	v9 =	vmul.f32 $1.442695020e+00, v19;
	v18 =	vmul.f32 $1.442695020e+00, v18;
	[tilespmem:v13+s24+$0x0] =	vst.idx.add.f32.msk vm8, v15;
	v13 =	vsub.f32 $0.0e+00, v26  }
0x9b: {  	(erf) = vpow2.f32 v14;
	[tilespmem:v10+s24+$0x0] =	vst.idx.add.f32.msk vm10, v17;
	v10, _, _ =	vpop (xrf2)  }
0x9c: {  	v15 =	vsub.f32 $0.0e+00, v15;
	v14 =	vld [tilespmem:s21+$0x31];
	(erf) = vpow2.f32 v18;
	v17 =	vsub.f32 $0.0e+00, v10  }
0x9d: {  	[tilespmem:v3+s24+$0x0] =	vst.idx.add.f32.msk vm4, v10;
	v3 =	vmov v21  }
0x9e: {  	[tilespmem:v2+s24+$0x0] =	vst.idx.add.f32.msk vm2, v17;
	v10, _, _ =	vpop (xrf2);
	v2 =	vmov v22  }
0x9f: {  	v17 =	vsub.f32 $0.0e+00, v10;
	[tilespmem:v4+s24+$0x0] =	vst.idx.add.f32.msk vm3, v13  }
0xa0: {  	v13 =	vmul.f32 $1.442695020e+00, v23;
	(erf) = vpow2.f32 v9;
	[tilespmem:v11+s24+$0x0] =	vst.idx.add.f32.msk vm5, v10  }
0xa1: {  	[tilespmem:v8+s24+$0x0] =	vst.idx.add.f32.msk vm6, v17;
	v4 =	vmov v14  }
0xa2: {  	[tilespmem:v5+s24+$0x0] =	vst.idx.add.f32.msk vm7, v15  }
0xa3: {  	v5 =	vmul.f32 $1.442695020e+00, v16;
	v9 =	vld [tilespmem:s21+$0x30];
	(erf) = vpow2.f32 v13  }
0xa4: {  	v8 =	vld [tilespmem:s11+$0xFFFFFFE0];
	v13 =	vpop (erf)  }
0xa5: {  	vm0 =	vne.s32 v6, v7;
	v11 =	vld [tilespmem:s11+$0xFFFFFFF0];
	v14 =	vpop (erf);
	(erf) = vpow2.f32 v5  }
0xa6: {  	vm2 =	vne.s32 v3, v2;
	vm5 =	vmor vm0, vm12;
	v10 =	vld [tilespmem:s21+$0x11];
	(erf) = vpow2.f32 v12;
	(xrf2) =	vadd.scan.msk.f32 $0xffff, v14  }
0xa7: {  	v16 =	vld [tilespmem:s21+$0x10]  }
0xa8: {  	vm4 =	vmand vm0, vm1;
	v5 =	vld [tilespmem:s21+$0xFFFFFFC1];
	vm3 =	vne.s32 v9, v4  }
0xa9: {  	v15 =	vmul.f32 $1.442695020e+00, v8;
	v12 =	vld [tilespmem:s21+$0x1];
	v8 =	vpop (erf)  }
0xaa: {  	v17 =	vmul.f32 $1.442695020e+00, v11;
	v14 =	vld [tilespmem:s21+$0x0];
	(xrf2) =	vadd.scan.msk.f32 $0xffff, v8  }
.Ltmp7:
0xab: {  	v8 =	vld [tilespmem:s21+$0xFFFFFFF1];
	(pc) =	sbr.rel @p1 .LBB2_9-.Ltmp7, $4  }
0xac: {  	v11 =	vld [tilespmem:s21+$0xFFFFFFF0];
	vm6 =	vne.s32 v16, v10;
	v18 =	vpop (erf);
	(erf) = vpow2.f32 v15  }
0xad: {  	v15 =	vld [tilespmem:s21+$0xFFFFFFD1];
	vm7 =	vmor vm6, vm12;
	(erf) = vpow2.f32 v17;
	(xrf2) =	vadd.scan.msk.f32 $0xffff, v13  }
0xae: {  	v13 =	vld [tilespmem:s21+$0xFFFFFFC0];
	v19 =	vpop (erf)  }
0xaf: {  	s11 =	sadd.s32 $0x80, s11;
	v17 =	vld [tilespmem:s21+$0xFFFFFFD0];
	vm8 =	vne.s32 v14, v12;
	s21 =	sadd.s32 $0x80, s21;
	v20 =	vpop (erf)  }
0xb0: {  	_ = 	snop  }
0xb1: {  	(xrf2) =	vadd.scan.msk.f32 $0xffff, v20  }
0xb2: {  	(xrf2) =	vadd.scan.msk.f32 $0xffff, v19  }
0xb3: {  	(xrf2) =	vadd.scan.msk.f32 $0xffff, v18  }
0xb4: {  	v50, _, _ =	vpop (xrf2);
	vm6 =	vmand vm6, vm1  }
0xb5: {  	vm0 =	vmor vm8, vm12;
	v49 =	vpop (erf)  }
0xb6: {  	vm8 =	vmand vm8, vm1;
	v52 =	vsub.f32 $0.0e+00, v50;
	vm9 =	vne.s32 v17, v15;
	(xrf2) =	vadd.scan.msk.f32 $0xffff, v49  }
0xb7: {  	[tilespmem:v6+s24+$0x0] =	vst.idx.add.f32.msk vm5, v50;
	v51, _, _ =	vpop (xrf2);
	vm10 =	vmor vm9, vm12;
	vm5 =	vmand vm9, vm1;
	vm9 =	vne.s32 v13, v5  }
0xb8: {  	[tilespmem:v7+s24+$0x0] =	vst.idx.add.f32.msk vm4, v52;
	v60 =	vsub.f32 $0.0e+00, v51;
	v53 =	vpop (erf);
	vm11 =	vmor vm9, vm12  }
0xb9: {  	[tilespmem:v16+s24+$0x0] =	vst.idx.add.f32.msk vm7, v51;
	v54, _, _ =	vpop (xrf2);
	(xrf2) =	vadd.scan.msk.f32 $0xffff, v53  }
0xba: {  	vm4 =	vmor vm3, vm12;
	[tilespmem:v10+s24+$0x0] =	vst.idx.add.f32.msk vm6, v60;
	v55 =	vsub.f32 $0.0e+00, v54  }
0xbb: {  	vm3 =	vmand vm3, vm1;
	[tilespmem:v14+s24+$0x0] =	vst.idx.add.f32.msk vm0, v54;
	v56, _, _ =	vpop (xrf2)  }
0xbc: {  	vm0 =	vmor vm2, vm12;
	[tilespmem:v12+s24+$0x0] =	vst.idx.add.f32.msk vm8, v55;
	v58, _, _ =	vpop (xrf2)  }
0xbd: {  	vm2 =	vmand vm2, vm1;
	v57 =	vsub.f32 $0.0e+00, v56;
	[tilespmem:v17+s24+$0x0] =	vst.idx.add.f32.msk vm10, v56;
	v59, _, _ =	vpop (xrf2)  }
0xbe: {  	vm10 =	vne.s32 v11, v8;
	[tilespmem:v13+s24+$0x0] =	vst.idx.add.f32.msk vm11, v59;
	vm11 =	vmand vm9, vm1  }
0xbf: {  	v6 =	vsub.f32 $0.0e+00, v58;
	[tilespmem:v15+s24+$0x0] =	vst.idx.add.f32.msk vm5, v57;
	vm5 =	vmor vm10, vm12  }
0xc0: {  	[tilespmem:v9+s24+$0x0] =	vst.idx.add.f32.msk vm4, v58;
	vm10 =	vmand vm10, vm1;
	v61, _, _ =	vpop (xrf2)  }
0xc1: {  	[tilespmem:v4+s24+$0x0] =	vst.idx.add.f32.msk vm3, v6;
	v62 =	vsub.f32 $0.0e+00, v61  }
0xc2: {  	v63 =	vsub.f32 $0.0e+00, v59;
	[tilespmem:v3+s24+$0x0] =	vst.idx.add.f32.msk vm0, v61  }
0xc3: {  	[tilespmem:v2+s24+$0x0] =	vst.idx.add.f32.msk vm2, v62;
	v2, _, _ =	vpop (xrf2)  }
0xc4: {  	[tilespmem:v5+s24+$0x0] =	vst.idx.add.f32.msk vm11, v63;
	v3 =	vsub.f32 $0.0e+00, v2  }
0xc5: {  	[tilespmem:v11+s24+$0x0] =	vst.idx.add.f32.msk vm5, v2  }
0xc6: {  	s11 =	simm.s32 $0x0;
	[tilespmem:v8+s24+$0x0] =	vst.idx.add.f32.msk vm10, v3  }
.LBB2_11:
0xc7: {  	s20 =	sshra.s32 s11, $0x2  }
0xc8: {  	v2 =	vld [tilespmem:s20+$0xF80];
	_ =	sdelay $0x4  }
0xc9: {  	v2 =	vmul.f32 $1.442695020e+00, v2;
	_ =	sdelay $0x1  }
0xca: {  	(erf) = vpow2.f32 v2;
	_ =	sdelay $0x8  }
0xcb: {  	v3 =	vld [tilespmem:s20+$0x2EC0];
	v2 =	vpop (erf)  }
0xcc: {  	(xrf2) =	vadd.scan.msk.f32 $0xffff, v2;
	v2 =	vld [tilespmem:s20+$0x2EC1];
	_ =	sdelay $0x4  }
0xcd: {  	vm0 =	vne.s32 v3, v2  }
0xce: {  	vm2 =	vmor vm0, vm12  }
0xcf: {  	vm0 =	vmand vm0, vm1  }
0xd0: {  	p1 =	sne.s32 s11, $0x40  }
.Ltmp8:
0xd1: {  	_ = 	snop;
	(pc) =	sbr.rel @p1 .LBB2_11-.Ltmp8, $4  }
0xd2: {  	v4, _, _ =	vpop (xrf2)  }
0xd3: {  	v5 =	vsub.f32 $0.0e+00, v4  }
0xd4: {  	[tilespmem:v3+s24+$0x0] =	vst.idx.add.f32.msk vm2, v4  }
0xd5: {  	s11 =	sadd.s32 $0x40, s11;
	[tilespmem:v2+s24+$0x0] =	vst.idx.add.f32.msk vm0, v5  }
0xd6: {  	p1 =	seq.s32 s18, $0x18  }
0xd7: {  	s11 =	smul.u32 @!p1 $0x1F40, s18;
	_ =	sdelay $0x1  }
0xd8: {  	s11 =	sadd.s32 @!p1 s11, s9  }
0xd9: {  	s11 =	sshrl.u32 @!p1 s11, $0x3  }
0xda: {  	s21 =	simm.s32 @!p1 $0x0;
	s20 =	sadd.s32 @!p1 s0, s11  }
0xdb: {  	[tilespmem:s21], [sflag:$0x1] =	stream.linear.gather @!p1 [hbm4b:s20+s21], $0xFA0, $0x38;
	[tilespmem:$0x1DF50] =	vst v63  }
0xdc: {  	s11 =	sadd.s32 @!p1 s1, s11;
	s20 =	simm.s32 @!p1 $0x1F40  }
0xdd: {  	[tilespmem:s20], [sflag:$0x1] =	stream.linear.gather @!p1 [hbm4b:s11+s21], $0xFA0, $0x38;
	[tilespmem:$0x1DF50] =	vst v63  }
0xde: {  	_ =	swait.ge [sflag:s26], $0xFA0  }
0xdf: {  	[sflag:s26] =	ssyncset.done $0x0  }
0xe0: {  	[sflag:s26] =	ssyncadd.s32 $0xFFFFF060  }
0xe1: {  	_ =	swait.ge [sflag:s26], $0xFA0  }
0xe2: {  	[sflag:s26] =	ssyncset.done $0x0  }
0xe3: {  	s21 =	simm.s32 $0xFE0;
	[sflag:s26] =	ssyncadd.s32 $0xFFFFF060  }
0xe4: {  	v3 =	vld [tilespmem:s21+$0x0]  }
0xe5: {  	v4 =	vld [tilespmem:s21+$0x20];
	_ =	sdelay $0x3  }
0xe6: {  	v5 =	vld [tilespmem:s21+$0x10];
	v11 =	vmul.f32 $1.442695020e+00, v3  }
0xe7: {  	s11 =	simm.s32 $0x2F30;
	v12 =	vmul.f32 $1.442695020e+00, v4  }
0xe8: {  	v6 =	vld [tilespmem:s11+$0x20];
	(erf) = vpow2.f32 v11  }
0xe9: {  	v2 =	vld [tilespmem:s11+$0xFFFFFFE1];
	(erf) = vpow2.f32 v12  }
0xea: {  	v8 =	vld [tilespmem:s21+$0xFFFFFFC0]  }
0xeb: {  	v9 =	vld [tilespmem:s21+$0x30];
	v5 =	vmul.f32 $1.442695020e+00, v5  }
0xec: {  	v10 =	vld [tilespmem:s21+$0xFFFFFFD0]  }
0xed: {  	v7 =	vld [tilespmem:s11+$0x21];
	(erf) = vpow2.f32 v5  }
0xee: {  	v13 =	vld [tilespmem:s21+$0xFFFFFFE0]  }
0xef: {  	v15 =	vld [tilespmem:s21+$0xFFFFFFF0];
	v8 =	vmul.f32 $1.442695020e+00, v8  }
0xf0: {  	v16 =	vld [tilespmem:s11+$0x10];
	v5 =	vmul.f32 $1.442695020e+00, v9  }
0xf1: {  	v14 =	vld [tilespmem:s11+$0x0];
	v11 =	vmul.f32 $1.442695020e+00, v10;
	(erf) = vpow2.f32 v8;
	v17 =	vpop (erf)  }
0xf2: {  	v3 =	vld [tilespmem:s11+$0xFFFFFFE0];
	(erf) = vpow2.f32 v5;
	v18 =	vpop (erf)  }
0xf3: {  	v4 =	vld [tilespmem:s11+$0x31];
	(erf) = vpow2.f32 v11;
	(xrf2) =	vadd.scan.msk.f32 $0xffff, v18  }
0xf4: {  	v20 =	vmul.f32 $1.442695020e+00, v15;
	v15 =	vld [tilespmem:s11+$0xFFFFFFD1]  }
0xf5: {  	v10 =	vld [tilespmem:s11+$0x11]  }
0xf6: {  	v12 =	vld [tilespmem:s11+$0x1];
	v19 =	vpop (erf)  }
0xf7: {  	vm0 =	vne.s32 v6, v7;
	v13 =	vmul.f32 $1.442695020e+00, v13;
	v9 =	vld [tilespmem:s11+$0x30];
	(xrf2) =	vadd.scan.msk.f32 $0xffff, v19  }
0xf8: {  	vm5 =	vmor vm0, vm12;
	v8 =	vld [tilespmem:s11+$0xFFFFFFF1]  }
0xf9: {  	v11 =	vld [tilespmem:s11+$0xFFFFFFF0];
	(erf) = vpow2.f32 v13  }
0xfa: {  	v5 =	vld [tilespmem:s11+$0xFFFFFFC1];
	(erf) = vpow2.f32 v20;
	v18 =	vpop (erf);
	(xrf2) =	vadd.scan.msk.f32 $0xffff, v17  }
0xfb: {  	vm4 =	vmand vm0, vm1;
	vm2 =	vne.s32 v3, v2;
	vm6 =	vne.s32 v16, v10;
	v13 =	vld [tilespmem:s11+$0xFFFFFFC0];
	v19 =	vpop (erf)  }
0xfc: {  	s20 =	simm.s32 $0x0;
	s21 =	simm.s32 $0x2FB0;
	vm7 =	vmor vm6, vm12;
	vm8 =	vne.s32 v14, v12;
	vm3 =	vne.s32 v9, v4;
	v17 =	vld [tilespmem:s11+$0xFFFFFFD0];
	s11 =	simm.s32 $0x1060;
	v20 =	vpop (erf)  }
.LBB2_13:
0xfd: {  	v21 =	vld [tilespmem:s21+$0x20];
	s20 =	sadd.s32 $0x8, s20;
	vm9 =	vmor vm8, vm12;
	(xrf2) =	vadd.scan.msk.f32 $0xffff, v20;
	v20, _, _ =	vpop (xrf2)  }
0xfe: {  	vm0 =	vcmask $0x3F3C;
	p2 =	slt.u32 s20, $0xF0;
	vm12 =	vne.s32 v11, v8;
	[tilespmem:v6+s24+$0x0] =	vst.idx.add.f32.msk vm5, v20  }
0xff: {  	v22 =	vld [tilespmem:s21+$0xFFFFFFE1];
	vm5 =	vmor vm12, vm0  }
0x100: {  	vm11 =	vmand vm8, vm1;
	v25 =	vsub.f32 $0.0e+00, v20;
	v23 =	vld [tilespmem:s21+$0x21];
	vm13 =	vne.s32 v13, v5;
	(xrf2) =	vadd.scan.msk.f32 $0xffff, v19  }
0x101: {  	vm8 =	vcmask $0x3F3C;
	v19 =	vld [tilespmem:s11+$0x10];
	vm0 =	vne.s32 v17, v15;
	v20, _, _ =	vpop (xrf2)  }
0x102: {  	vm8 =	vmor vm13, vm8;
	[tilespmem:v7+s24+$0x0] =	vst.idx.add.f32.msk vm4, v25;
	v24 =	vpop (erf);
	v6 =	vmov v21;
	vm4 =	vcmask $0x3F3C  }
0x103: {  	vm10 =	vmand vm6, vm1;
	v21 =	vld [tilespmem:s21+$0xFFFFFFE0];
	vm4 =	vmor vm2, vm4;
	(xrf2) =	vadd.scan.msk.f32 $0xffff, v18;
	v18 =	vpop (erf)  }
0x104: {  	v25 =	vld [tilespmem:s11+$0xFFFFFFD0];
	v26, _, _ =	vpop (xrf2)  }
0x105: {  	vm6 =	vcmask $0x3F3C;
	[tilespmem:v16+s24+$0x0] =	vst.idx.add.f32.msk vm7, v20;
	v7 =	vmov v23  }
0x106: {  	vm14 =	vmor vm0, vm6;
	v16 =	vld [tilespmem:s11+$0x30];
	(xrf2) =	vadd.scan.msk.f32 $0xffff, v24  }
0x107: {  	vm0 =	vmand vm0, vm1;
	vm6 =	vcmask $0x3F3C;
	v23 =	vld [tilespmem:s11+$0xFFFFFFC0];
	v24, _, _ =	vpop (xrf2)  }
0x108: {  	vm15 =	vmor vm3, vm6;
	vm6 =	vmand vm12, vm1;
	v27 =	vld [tilespmem:s11+$0x0];
	v28 =	vsub.f32 $0.0e+00, v24  }
0x109: {  	vm12 =	vcmask $0x3F3C;
	[tilespmem:v14+s24+$0x0] =	vst.idx.add.f32.msk vm9, v26;
	v14 =	vsub.f32 $0.0e+00, v26;
	(xrf2) =	vadd.scan.msk.f32 $0xffff, v18  }
0x10a: {  	vm7 =	vmand vm13, vm1;
	v18 =	vld [tilespmem:s11+$0x20];
	v26, _, _ =	vpop (xrf2)  }
0x10b: {  	[tilespmem:v12+s24+$0x0] =	vst.idx.add.f32.msk vm11, v14  }
0x10c: {  	v12 =	vmul.f32 $1.442695020e+00, v25;
	[tilespmem:v17+s24+$0x0] =	vst.idx.add.f32.msk vm14, v24  }
0x10d: {  	v14 =	vmul.f32 $1.442695020e+00, v27;
	[tilespmem:v15+s24+$0x0] =	vst.idx.add.f32.msk vm0, v28;
	vm0 =	vmand vm2, vm1;
	v15, _, _ =	vpop (xrf2)  }
0x10e: {  	v17 =	vsub.f32 $0.0e+00, v20;
	vm2 =	vmand vm3, vm1;
	[tilespmem:v9+s24+$0x0] =	vst.idx.add.f32.msk vm15, v26  }
0x10f: {  	v9 =	vmul.f32 $1.442695020e+00, v19;
	v18 =	vmul.f32 $1.442695020e+00, v18;
	[tilespmem:v13+s24+$0x0] =	vst.idx.add.f32.msk vm8, v15;
	v13 =	vsub.f32 $0.0e+00, v26  }
0x110: {  	(erf) = vpow2.f32 v14;
	[tilespmem:v10+s24+$0x0] =	vst.idx.add.f32.msk vm10, v17;
	v10, _, _ =	vpop (xrf2)  }
0x111: {  	v15 =	vsub.f32 $0.0e+00, v15;
	v14 =	vld [tilespmem:s21+$0x31];
	(erf) = vpow2.f32 v18;
	v17 =	vsub.f32 $0.0e+00, v10  }
0x112: {  	[tilespmem:v3+s24+$0x0] =	vst.idx.add.f32.msk vm4, v10;
	v3 =	vmov v21  }
0x113: {  	[tilespmem:v2+s24+$0x0] =	vst.idx.add.f32.msk vm0, v17;
	v10, _, _ =	vpop (xrf2);
	v2 =	vmov v22  }
0x114: {  	v17 =	vsub.f32 $0.0e+00, v10;
	[tilespmem:v4+s24+$0x0] =	vst.idx.add.f32.msk vm2, v13  }
0x115: {  	v13 =	vmul.f32 $1.442695020e+00, v23;
	(erf) = vpow2.f32 v9;
	[tilespmem:v11+s24+$0x0] =	vst.idx.add.f32.msk vm5, v10  }
0x116: {  	[tilespmem:v8+s24+$0x0] =	vst.idx.add.f32.msk vm6, v17;
	v4 =	vmov v14  }
0x117: {  	[tilespmem:v5+s24+$0x0] =	vst.idx.add.f32.msk vm7, v15  }
0x118: {  	v5 =	vmul.f32 $1.442695020e+00, v16;
	v9 =	vld [tilespmem:s21+$0x30];
	(erf) = vpow2.f32 v13  }
0x119: {  	v8 =	vld [tilespmem:s11+$0xFFFFFFE0];
	v13 =	vpop (erf)  }
0x11a: {  	vm0 =	vne.s32 v6, v7;
	v11 =	vld [tilespmem:s11+$0xFFFFFFF0];
	v14 =	vpop (erf);
	(erf) = vpow2.f32 v5  }
0x11b: {  	vm2 =	vne.s32 v3, v2;
	vm5 =	vmor vm0, vm12;
	v10 =	vld [tilespmem:s21+$0x11];
	(erf) = vpow2.f32 v12;
	(xrf2) =	vadd.scan.msk.f32 $0xffff, v14  }
0x11c: {  	v16 =	vld [tilespmem:s21+$0x10]  }
0x11d: {  	vm4 =	vmand vm0, vm1;
	v5 =	vld [tilespmem:s21+$0xFFFFFFC1];
	vm3 =	vne.s32 v9, v4  }
0x11e: {  	v15 =	vmul.f32 $1.442695020e+00, v8;
	v12 =	vld [tilespmem:s21+$0x1];
	v8 =	vpop (erf)  }
0x11f: {  	v17 =	vmul.f32 $1.442695020e+00, v11;
	v14 =	vld [tilespmem:s21+$0x0];
	(xrf2) =	vadd.scan.msk.f32 $0xffff, v8  }
.Ltmp9:
0x120: {  	v8 =	vld [tilespmem:s21+$0xFFFFFFF1];
	(pc) =	sbr.rel @p2 .LBB2_13-.Ltmp9, $4  }
0x121: {  	v11 =	vld [tilespmem:s21+$0xFFFFFFF0];
	vm6 =	vne.s32 v16, v10;
	v18 =	vpop (erf);
	(erf) = vpow2.f32 v15  }
0x122: {  	v15 =	vld [tilespmem:s21+$0xFFFFFFD1];
	vm7 =	vmor vm6, vm12;
	(erf) = vpow2.f32 v17;
	(xrf2) =	vadd.scan.msk.f32 $0xffff, v13  }
0x123: {  	v13 =	vld [tilespmem:s21+$0xFFFFFFC0];
	v19 =	vpop (erf)  }
0x124: {  	s11 =	sadd.s32 $0x80, s11;
	v17 =	vld [tilespmem:s21+$0xFFFFFFD0];
	vm8 =	vne.s32 v14, v12;
	s21 =	sadd.s32 $0x80, s21;
	v20 =	vpop (erf)  }
0x125: {  	_ = 	snop  }
0x126: {  	(xrf2) =	vadd.scan.msk.f32 $0xffff, v20  }
0x127: {  	(xrf2) =	vadd.scan.msk.f32 $0xffff, v19  }
0x128: {  	(xrf2) =	vadd.scan.msk.f32 $0xffff, v18  }
0x129: {  	v50, _, _ =	vpop (xrf2);
	vm6 =	vmand vm6, vm1  }
0x12a: {  	vm0 =	vmor vm8, vm12;
	v49 =	vpop (erf)  }
0x12b: {  	vm8 =	vmand vm8, vm1;
	v52 =	vsub.f32 $0.0e+00, v50;
	vm9 =	vne.s32 v17, v15;
	(xrf2) =	vadd.scan.msk.f32 $0xffff, v49  }
0x12c: {  	[tilespmem:v6+s24+$0x0] =	vst.idx.add.f32.msk vm5, v50;
	v51, _, _ =	vpop (xrf2);
	vm10 =	vmor vm9, vm12;
	vm5 =	vmand vm9, vm1;
	vm9 =	vne.s32 v13, v5  }
0x12d: {  	[tilespmem:v7+s24+$0x0] =	vst.idx.add.f32.msk vm4, v52;
	v60 =	vsub.f32 $0.0e+00, v51;
	v53 =	vpop (erf);
	vm11 =	vmor vm9, vm12  }
0x12e: {  	[tilespmem:v16+s24+$0x0] =	vst.idx.add.f32.msk vm7, v51;
	v54, _, _ =	vpop (xrf2);
	(xrf2) =	vadd.scan.msk.f32 $0xffff, v53  }
0x12f: {  	vm4 =	vmor vm3, vm12;
	[tilespmem:v10+s24+$0x0] =	vst.idx.add.f32.msk vm6, v60;
	v55 =	vsub.f32 $0.0e+00, v54  }
0x130: {  	vm3 =	vmand vm3, vm1;
	[tilespmem:v14+s24+$0x0] =	vst.idx.add.f32.msk vm0, v54;
	v56, _, _ =	vpop (xrf2)  }
0x131: {  	vm0 =	vmor vm2, vm12;
	[tilespmem:v12+s24+$0x0] =	vst.idx.add.f32.msk vm8, v55;
	v58, _, _ =	vpop (xrf2)  }
0x132: {  	vm2 =	vmand vm2, vm1;
	v57 =	vsub.f32 $0.0e+00, v56;
	[tilespmem:v17+s24+$0x0] =	vst.idx.add.f32.msk vm10, v56;
	v59, _, _ =	vpop (xrf2)  }
0x133: {  	vm10 =	vne.s32 v11, v8;
	[tilespmem:v13+s24+$0x0] =	vst.idx.add.f32.msk vm11, v59;
	vm11 =	vmand vm9, vm1  }
0x134: {  	v6 =	vsub.f32 $0.0e+00, v58;
	[tilespmem:v15+s24+$0x0] =	vst.idx.add.f32.msk vm5, v57;
	vm5 =	vmor vm10, vm12  }
0x135: {  	[tilespmem:v9+s24+$0x0] =	vst.idx.add.f32.msk vm4, v58;
	vm10 =	vmand vm10, vm1;
	v61, _, _ =	vpop (xrf2)  }
0x136: {  	[tilespmem:v4+s24+$0x0] =	vst.idx.add.f32.msk vm3, v6;
	v62 =	vsub.f32 $0.0e+00, v61  }
0x137: {  	v63 =	vsub.f32 $0.0e+00, v59;
	[tilespmem:v3+s24+$0x0] =	vst.idx.add.f32.msk vm0, v61  }
0x138: {  	[tilespmem:v2+s24+$0x0] =	vst.idx.add.f32.msk vm2, v62;
	v2, _, _ =	vpop (xrf2)  }
0x139: {  	[tilespmem:v5+s24+$0x0] =	vst.idx.add.f32.msk vm11, v63;
	v3 =	vsub.f32 $0.0e+00, v2  }
0x13a: {  	[tilespmem:v11+s24+$0x0] =	vst.idx.add.f32.msk vm5, v2  }
0x13b: {  	s11 =	simm.s32 $0x0;
	[tilespmem:v8+s24+$0x0] =	vst.idx.add.f32.msk vm10, v3  }
.LBB2_15:
0x13c: {  	s20 =	sshra.s32 s11, $0x2  }
0x13d: {  	v2 =	vld [tilespmem:s20+$0x1F20];
	_ =	sdelay $0x4  }
0x13e: {  	v2 =	vmul.f32 $1.442695020e+00, v2;
	_ =	sdelay $0x1  }
0x13f: {  	(erf) = vpow2.f32 v2;
	_ =	sdelay $0x8  }
0x140: {  	v3 =	vld [tilespmem:s20+$0x3E70];
	v2 =	vpop (erf)  }
0x141: {  	(xrf2) =	vadd.scan.msk.f32 $0xffff, v2;
	v2 =	vld [tilespmem:s20+$0x3E71];
	_ =	sdelay $0x4  }
0x142: {  	vm0 =	vne.s32 v3, v2  }
0x143: {  	vm2 =	vmor vm0, vm12  }
0x144: {  	vm0 =	vmand vm0, vm1  }
0x145: {  	p2 =	sne.s32 s11, $0x40  }
.Ltmp10:
0x146: {  	_ = 	snop;
	(pc) =	sbr.rel @p2 .LBB2_15-.Ltmp10, $4  }
0x147: {  	v4, _, _ =	vpop (xrf2)  }
0x148: {  	v5 =	vsub.f32 $0.0e+00, v4  }
0x149: {  	[tilespmem:v3+s24+$0x0] =	vst.idx.add.f32.msk vm2, v4  }
0x14a: {  	s11 =	sadd.s32 $0x40, s11;
	[tilespmem:v2+s24+$0x0] =	vst.idx.add.f32.msk vm0, v5  }
.Ltmp11:
0x14b: {  	(pc) =	sbr.rel @p1 .LBB2_28-.Ltmp11, $1  }
0x14c: {  	_ =	sdelay $0x3  }
0x14d: {  	s11 =	smul.u32 $0x1F40, s18;
	_ =	sdelay $0x1  }
0x14e: {  	s11 =	sadd.s32 s11, s10  }
.Ltmp12:
0x14f: {  	s11 =	sshrl.u32 s11, $0x3;
	(pc) =	sbr.rel .LBB2_8-.Ltmp12, $4  }
0x150: {  	s20 =	sadd.s32 s0, s11  }
0x151: {  	[tilespmem:s22], [sflag:$0x2] =	stream.linear.gather [hbm4b:s20+s7], $0xFA0, $0x38;
	[tilespmem:$0x1DF50] =	vst v63  }
0x152: {  	s18 =	sadd.s32 $0x1, s18;
	s11 =	sadd.s32 s1, s11  }
0x153: {  	[tilespmem:s23], [sflag:$0x2] =	stream.linear.gather [hbm4b:s11+s7], $0xFA0, $0x38;
	[tilespmem:$0x1DF50] =	vst v63  }
.LBB2_18:
0x154: {  	_ =	swait.ge [sflag:s25], $0xFA0  }
0x155: {  	[sflag:s25] =	ssyncset.done $0x0  }
0x156: {  	[sflag:s25] =	ssyncadd.s32 $0xFFFFF060  }
0x157: {  	_ =	swait.ge [sflag:s25], $0xFA0  }
0x158: {  	[sflag:s25] =	ssyncset.done $0x0  }
0x159: {  	s20 =	simm.s32 $0x40;
	[sflag:s25] =	ssyncadd.s32 $0xFFFFF060  }
0x15a: {  	v3 =	vld [tilespmem:s20+$0x0]  }
0x15b: {  	v4 =	vld [tilespmem:s20+$0x20];
	_ =	sdelay $0x3  }
0x15c: {  	v5 =	vld [tilespmem:s20+$0x10];
	v11 =	vmul.f32 $1.442695020e+00, v3  }
0x15d: {  	s11 =	simm.s32 $0x1F80;
	v12 =	vmul.f32 $1.442695020e+00, v4  }
0x15e: {  	v6 =	vld [tilespmem:s11+$0x20];
	(erf) = vpow2.f32 v11  }
0x15f: {  	v2 =	vld [tilespmem:s11+$0xFFFFFFE1];
	(erf) = vpow2.f32 v12  }
0x160: {  	v8 =	vld [tilespmem:s20+$0xFFFFFFC0]  }
0x161: {  	v9 =	vld [tilespmem:s20+$0x30];
	v5 =	vmul.f32 $1.442695020e+00, v5  }
0x162: {  	v10 =	vld [tilespmem:s20+$0xFFFFFFD0]  }
0x163: {  	v7 =	vld [tilespmem:s11+$0x21];
	(erf) = vpow2.f32 v5  }
0x164: {  	v13 =	vld [tilespmem:s20+$0xFFFFFFE0]  }
0x165: {  	v15 =	vld [tilespmem:s20+$0xFFFFFFF0];
	v8 =	vmul.f32 $1.442695020e+00, v8  }
0x166: {  	v16 =	vld [tilespmem:s11+$0x10];
	v5 =	vmul.f32 $1.442695020e+00, v9  }
0x167: {  	v14 =	vld [tilespmem:s11+$0x0];
	v11 =	vmul.f32 $1.442695020e+00, v10;
	(erf) = vpow2.f32 v8;
	v17 =	vpop (erf)  }
0x168: {  	v3 =	vld [tilespmem:s11+$0xFFFFFFE0];
	(erf) = vpow2.f32 v5;
	v18 =	vpop (erf)  }
0x169: {  	v4 =	vld [tilespmem:s11+$0x31];
	(erf) = vpow2.f32 v11;
	(xrf2) =	vadd.scan.msk.f32 $0xffff, v18  }
0x16a: {  	v20 =	vmul.f32 $1.442695020e+00, v15;
	v15 =	vld [tilespmem:s11+$0xFFFFFFD1]  }
0x16b: {  	v10 =	vld [tilespmem:s11+$0x11]  }
0x16c: {  	v12 =	vld [tilespmem:s11+$0x1];
	v19 =	vpop (erf)  }
0x16d: {  	vm0 =	vne.s32 v6, v7;
	v13 =	vmul.f32 $1.442695020e+00, v13;
	v9 =	vld [tilespmem:s11+$0x30];
	(xrf2) =	vadd.scan.msk.f32 $0xffff, v19  }
0x16e: {  	vm5 =	vmor vm0, vm12;
	v8 =	vld [tilespmem:s11+$0xFFFFFFF1]  }
0x16f: {  	v11 =	vld [tilespmem:s11+$0xFFFFFFF0];
	(erf) = vpow2.f32 v13  }
0x170: {  	v5 =	vld [tilespmem:s11+$0xFFFFFFC1];
	(erf) = vpow2.f32 v20;
	v18 =	vpop (erf);
	(xrf2) =	vadd.scan.msk.f32 $0xffff, v17  }
0x171: {  	vm4 =	vmand vm0, vm1;
	vm2 =	vne.s32 v3, v2;
	vm6 =	vne.s32 v16, v10;
	v13 =	vld [tilespmem:s11+$0xFFFFFFC0];
	v19 =	vpop (erf)  }
0x172: {  	s21 =	simm.s32 $0x2000;
	s20 =	simm.s32 $0x0;
	vm7 =	vmor vm6, vm12;
	vm8 =	vne.s32 v14, v12;
	vm3 =	vne.s32 v9, v4;
	v17 =	vld [tilespmem:s11+$0xFFFFFFD0];
	s11 =	simm.s32 $0xC0;
	v20 =	vpop (erf)  }
.LBB2_19:
0x173: {  	v21 =	vld [tilespmem:s21+$0x20];
	s20 =	sadd.s32 $0x8, s20;
	vm9 =	vmor vm8, vm12;
	(xrf2) =	vadd.scan.msk.f32 $0xffff, v20;
	v20, _, _ =	vpop (xrf2)  }
0x174: {  	vm0 =	vcmask $0x3F3C;
	p1 =	slt.u32 s20, $0xF0;
	vm12 =	vne.s32 v11, v8;
	[tilespmem:v6+s24+$0x0] =	vst.idx.add.f32.msk vm5, v20  }
0x175: {  	v22 =	vld [tilespmem:s21+$0xFFFFFFE1];
	vm5 =	vmor vm12, vm0  }
0x176: {  	vm11 =	vmand vm8, vm1;
	v25 =	vsub.f32 $0.0e+00, v20;
	v23 =	vld [tilespmem:s21+$0x21];
	vm13 =	vne.s32 v13, v5;
	(xrf2) =	vadd.scan.msk.f32 $0xffff, v19  }
0x177: {  	vm8 =	vcmask $0x3F3C;
	v19 =	vld [tilespmem:s11+$0x10];
	vm0 =	vne.s32 v17, v15;
	v20, _, _ =	vpop (xrf2)  }
0x178: {  	vm8 =	vmor vm13, vm8;
	[tilespmem:v7+s24+$0x0] =	vst.idx.add.f32.msk vm4, v25;
	v24 =	vpop (erf);
	v6 =	vmov v21;
	vm4 =	vcmask $0x3F3C  }
0x179: {  	vm10 =	vmand vm6, vm1;
	v21 =	vld [tilespmem:s21+$0xFFFFFFE0];
	vm4 =	vmor vm2, vm4;
	(xrf2) =	vadd.scan.msk.f32 $0xffff, v18;
	v18 =	vpop (erf)  }
0x17a: {  	v25 =	vld [tilespmem:s11+$0xFFFFFFD0];
	v26, _, _ =	vpop (xrf2)  }
0x17b: {  	vm6 =	vcmask $0x3F3C;
	[tilespmem:v16+s24+$0x0] =	vst.idx.add.f32.msk vm7, v20;
	v7 =	vmov v23  }
0x17c: {  	vm14 =	vmor vm0, vm6;
	v16 =	vld [tilespmem:s11+$0x30];
	(xrf2) =	vadd.scan.msk.f32 $0xffff, v24  }
0x17d: {  	vm0 =	vmand vm0, vm1;
	vm6 =	vcmask $0x3F3C;
	v23 =	vld [tilespmem:s11+$0xFFFFFFC0];
	v24, _, _ =	vpop (xrf2)  }
0x17e: {  	vm15 =	vmor vm3, vm6;
	vm6 =	vmand vm12, vm1;
	v27 =	vld [tilespmem:s11+$0x0];
	v28 =	vsub.f32 $0.0e+00, v24  }
0x17f: {  	vm12 =	vcmask $0x3F3C;
	[tilespmem:v14+s24+$0x0] =	vst.idx.add.f32.msk vm9, v26;
	v14 =	vsub.f32 $0.0e+00, v26;
	(xrf2) =	vadd.scan.msk.f32 $0xffff, v18  }
0x180: {  	vm7 =	vmand vm13, vm1;
	v18 =	vld [tilespmem:s11+$0x20];
	v26, _, _ =	vpop (xrf2)  }
0x181: {  	[tilespmem:v12+s24+$0x0] =	vst.idx.add.f32.msk vm11, v14  }
0x182: {  	v12 =	vmul.f32 $1.442695020e+00, v25;
	[tilespmem:v17+s24+$0x0] =	vst.idx.add.f32.msk vm14, v24  }
0x183: {  	v14 =	vmul.f32 $1.442695020e+00, v27;
	[tilespmem:v15+s24+$0x0] =	vst.idx.add.f32.msk vm0, v28;
	vm0 =	vmand vm2, vm1;
	v15, _, _ =	vpop (xrf2)  }
0x184: {  	v17 =	vsub.f32 $0.0e+00, v20;
	vm2 =	vmand vm3, vm1;
	[tilespmem:v9+s24+$0x0] =	vst.idx.add.f32.msk vm15, v26  }
0x185: {  	v9 =	vmul.f32 $1.442695020e+00, v19;
	v18 =	vmul.f32 $1.442695020e+00, v18;
	[tilespmem:v13+s24+$0x0] =	vst.idx.add.f32.msk vm8, v15;
	v13 =	vsub.f32 $0.0e+00, v26  }
0x186: {  	(erf) = vpow2.f32 v14;
	[tilespmem:v10+s24+$0x0] =	vst.idx.add.f32.msk vm10, v17;
	v10, _, _ =	vpop (xrf2)  }
0x187: {  	v15 =	vsub.f32 $0.0e+00, v15;
	v14 =	vld [tilespmem:s21+$0x31];
	(erf) = vpow2.f32 v18;
	v17 =	vsub.f32 $0.0e+00, v10  }
0x188: {  	[tilespmem:v3+s24+$0x0] =	vst.idx.add.f32.msk vm4, v10;
	v3 =	vmov v21  }
0x189: {  	[tilespmem:v2+s24+$0x0] =	vst.idx.add.f32.msk vm0, v17;
	v10, _, _ =	vpop (xrf2);
	v2 =	vmov v22  }
0x18a: {  	v17 =	vsub.f32 $0.0e+00, v10;
	[tilespmem:v4+s24+$0x0] =	vst.idx.add.f32.msk vm2, v13  }
0x18b: {  	v13 =	vmul.f32 $1.442695020e+00, v23;
	(erf) = vpow2.f32 v9;
	[tilespmem:v11+s24+$0x0] =	vst.idx.add.f32.msk vm5, v10  }
0x18c: {  	[tilespmem:v8+s24+$0x0] =	vst.idx.add.f32.msk vm6, v17;
	v4 =	vmov v14  }
0x18d: {  	[tilespmem:v5+s24+$0x0] =	vst.idx.add.f32.msk vm7, v15  }
0x18e: {  	v5 =	vmul.f32 $1.442695020e+00, v16;
	v9 =	vld [tilespmem:s21+$0x30];
	(erf) = vpow2.f32 v13  }
0x18f: {  	v8 =	vld [tilespmem:s11+$0xFFFFFFE0];
	v13 =	vpop (erf)  }
0x190: {  	vm0 =	vne.s32 v6, v7;
	v11 =	vld [tilespmem:s11+$0xFFFFFFF0];
	v14 =	vpop (erf);
	(erf) = vpow2.f32 v5  }
0x191: {  	vm2 =	vne.s32 v3, v2;
	vm5 =	vmor vm0, vm12;
	v10 =	vld [tilespmem:s21+$0x11];
	(erf) = vpow2.f32 v12;
	(xrf2) =	vadd.scan.msk.f32 $0xffff, v14  }
0x192: {  	v16 =	vld [tilespmem:s21+$0x10]  }
0x193: {  	vm4 =	vmand vm0, vm1;
	v5 =	vld [tilespmem:s21+$0xFFFFFFC1];
	vm3 =	vne.s32 v9, v4  }
0x194: {  	v15 =	vmul.f32 $1.442695020e+00, v8;
	v12 =	vld [tilespmem:s21+$0x1];
	v8 =	vpop (erf)  }
0x195: {  	v17 =	vmul.f32 $1.442695020e+00, v11;
	v14 =	vld [tilespmem:s21+$0x0];
	(xrf2) =	vadd.scan.msk.f32 $0xffff, v8  }
.Ltmp13:
0x196: {  	v8 =	vld [tilespmem:s21+$0xFFFFFFF1];
	(pc) =	sbr.rel @p1 .LBB2_19-.Ltmp13, $4  }
0x197: {  	v11 =	vld [tilespmem:s21+$0xFFFFFFF0];
	vm6 =	vne.s32 v16, v10;
	v18 =	vpop (erf);
	(erf) = vpow2.f32 v15  }
0x198: {  	v15 =	vld [tilespmem:s21+$0xFFFFFFD1];
	vm7 =	vmor vm6, vm12;
	(erf) = vpow2.f32 v17;
	(xrf2) =	vadd.scan.msk.f32 $0xffff, v13  }
0x199: {  	v13 =	vld [tilespmem:s21+$0xFFFFFFC0];
	v19 =	vpop (erf)  }
0x19a: {  	s11 =	sadd.s32 $0x80, s11;
	v17 =	vld [tilespmem:s21+$0xFFFFFFD0];
	vm8 =	vne.s32 v14, v12;
	s21 =	sadd.s32 $0x80, s21;
	v20 =	vpop (erf)  }
0x19b: {  	_ = 	snop  }
0x19c: {  	(xrf2) =	vadd.scan.msk.f32 $0xffff, v20  }
0x19d: {  	(xrf2) =	vadd.scan.msk.f32 $0xffff, v19  }
0x19e: {  	(xrf2) =	vadd.scan.msk.f32 $0xffff, v18  }
0x19f: {  	v50, _, _ =	vpop (xrf2);
	vm6 =	vmand vm6, vm1  }
0x1a0: {  	vm0 =	vmor vm8, vm12;
	v49 =	vpop (erf)  }
0x1a1: {  	vm8 =	vmand vm8, vm1;
	v52 =	vsub.f32 $0.0e+00, v50;
	vm9 =	vne.s32 v17, v15;
	(xrf2) =	vadd.scan.msk.f32 $0xffff, v49  }
0x1a2: {  	[tilespmem:v6+s24+$0x0] =	vst.idx.add.f32.msk vm5, v50;
	v51, _, _ =	vpop (xrf2);
	vm10 =	vmor vm9, vm12;
	vm5 =	vmand vm9, vm1;
	vm9 =	vne.s32 v13, v5  }
0x1a3: {  	[tilespmem:v7+s24+$0x0] =	vst.idx.add.f32.msk vm4, v52;
	v60 =	vsub.f32 $0.0e+00, v51;
	v53 =	vpop (erf);
	vm11 =	vmor vm9, vm12  }
0x1a4: {  	[tilespmem:v16+s24+$0x0] =	vst.idx.add.f32.msk vm7, v51;
	v54, _, _ =	vpop (xrf2);
	(xrf2) =	vadd.scan.msk.f32 $0xffff, v53  }
0x1a5: {  	vm4 =	vmor vm3, vm12;
	[tilespmem:v10+s24+$0x0] =	vst.idx.add.f32.msk vm6, v60;
	v55 =	vsub.f32 $0.0e+00, v54  }
0x1a6: {  	vm3 =	vmand vm3, vm1;
	[tilespmem:v14+s24+$0x0] =	vst.idx.add.f32.msk vm0, v54;
	v56, _, _ =	vpop (xrf2)  }
0x1a7: {  	vm0 =	vmor vm2, vm12;
	[tilespmem:v12+s24+$0x0] =	vst.idx.add.f32.msk vm8, v55;
	v58, _, _ =	vpop (xrf2)  }
0x1a8: {  	vm2 =	vmand vm2, vm1;
	v57 =	vsub.f32 $0.0e+00, v56;
	[tilespmem:v17+s24+$0x0] =	vst.idx.add.f32.msk vm10, v56;
	v59, _, _ =	vpop (xrf2)  }
0x1a9: {  	vm10 =	vne.s32 v11, v8;
	[tilespmem:v13+s24+$0x0] =	vst.idx.add.f32.msk vm11, v59;
	vm11 =	vmand vm9, vm1  }
0x1aa: {  	v6 =	vsub.f32 $0.0e+00, v58;
	[tilespmem:v15+s24+$0x0] =	vst.idx.add.f32.msk vm5, v57;
	vm5 =	vmor vm10, vm12  }
0x1ab: {  	[tilespmem:v9+s24+$0x0] =	vst.idx.add.f32.msk vm4, v58;
	vm10 =	vmand vm10, vm1;
	v61, _, _ =	vpop (xrf2)  }
0x1ac: {  	[tilespmem:v4+s24+$0x0] =	vst.idx.add.f32.msk vm3, v6;
	v62 =	vsub.f32 $0.0e+00, v61  }
0x1ad: {  	v63 =	vsub.f32 $0.0e+00, v59;
	[tilespmem:v3+s24+$0x0] =	vst.idx.add.f32.msk vm0, v61  }
0x1ae: {  	[tilespmem:v2+s24+$0x0] =	vst.idx.add.f32.msk vm2, v62;
	v2, _, _ =	vpop (xrf2)  }
0x1af: {  	[tilespmem:v5+s24+$0x0] =	vst.idx.add.f32.msk vm11, v63;
	v3 =	vsub.f32 $0.0e+00, v2  }
0x1b0: {  	[tilespmem:v11+s24+$0x0] =	vst.idx.add.f32.msk vm5, v2  }
0x1b1: {  	s11 =	simm.s32 $0x0;
	[tilespmem:v8+s24+$0x0] =	vst.idx.add.f32.msk vm10, v3  }
.LBB2_21:
0x1b2: {  	s20 =	sshra.s32 s11, $0x2  }
0x1b3: {  	v2 =	vld [tilespmem:s20+$0xF80];
	_ =	sdelay $0x4  }
0x1b4: {  	v2 =	vmul.f32 $1.442695020e+00, v2;
	_ =	sdelay $0x1  }
0x1b5: {  	(erf) = vpow2.f32 v2;
	_ =	sdelay $0x8  }
0x1b6: {  	v3 =	vld [tilespmem:s20+$0x2EC0];
	v2 =	vpop (erf)  }
0x1b7: {  	(xrf2) =	vadd.scan.msk.f32 $0xffff, v2;
	v2 =	vld [tilespmem:s20+$0x2EC1];
	_ =	sdelay $0x4  }
0x1b8: {  	vm0 =	vne.s32 v3, v2  }
0x1b9: {  	vm2 =	vmor vm0, vm12  }
0x1ba: {  	vm0 =	vmand vm0, vm1  }
0x1bb: {  	p1 =	sne.s32 s11, $0x40  }
.Ltmp14:
0x1bc: {  	_ = 	snop;
	(pc) =	sbr.rel @p1 .LBB2_21-.Ltmp14, $4  }
0x1bd: {  	v4, _, _ =	vpop (xrf2)  }
0x1be: {  	v5 =	vsub.f32 $0.0e+00, v4  }
0x1bf: {  	[tilespmem:v3+s24+$0x0] =	vst.idx.add.f32.msk vm2, v4  }
0x1c0: {  	s11 =	sadd.s32 $0x40, s11;
	[tilespmem:v2+s24+$0x0] =	vst.idx.add.f32.msk vm0, v5  }
0x1c1: {  	p1 =	seq.s32 s18, $0x18  }
0x1c2: {  	s11 =	smul.u32 @!p1 $0x1F40, s18;
	_ =	sdelay $0x1  }
0x1c3: {  	s11 =	sadd.s32 @!p1 s11, s9  }
0x1c4: {  	s11 =	sshrl.u32 @!p1 s11, $0x3  }
0x1c5: {  	s21 =	simm.s32 @!p1 $0x0;
	s20 =	sadd.s32 @!p1 s3, s11  }
0x1c6: {  	[tilespmem:s21], [sflag:$0x1] =	stream.linear.gather @!p1 [hbm4b:s20+s21], $0xFA0, $0x38;
	[tilespmem:$0x1DF50] =	vst v63  }
0x1c7: {  	s11 =	sadd.s32 @!p1 s5, s11;
	s20 =	simm.s32 @!p1 $0x1F40  }
0x1c8: {  	[tilespmem:s20], [sflag:$0x1] =	stream.linear.gather @!p1 [hbm4b:s11+s21], $0xFA0, $0x38;
	[tilespmem:$0x1DF50] =	vst v63  }
0x1c9: {  	_ =	swait.ge [sflag:s26], $0xFA0  }
0x1ca: {  	[sflag:s26] =	ssyncset.done $0x0  }
0x1cb: {  	[sflag:s26] =	ssyncadd.s32 $0xFFFFF060  }
0x1cc: {  	_ =	swait.ge [sflag:s26], $0xFA0  }
0x1cd: {  	[sflag:s26] =	ssyncset.done $0x0  }
0x1ce: {  	s21 =	simm.s32 $0xFE0;
	[sflag:s26] =	ssyncadd.s32 $0xFFFFF060  }
0x1cf: {  	v3 =	vld [tilespmem:s21+$0x0]  }
0x1d0: {  	v4 =	vld [tilespmem:s21+$0x20];
	_ =	sdelay $0x3  }
0x1d1: {  	v5 =	vld [tilespmem:s21+$0x10];
	v11 =	vmul.f32 $1.442695020e+00, v3  }
0x1d2: {  	s11 =	simm.s32 $0x2F30;
	v12 =	vmul.f32 $1.442695020e+00, v4  }
0x1d3: {  	v6 =	vld [tilespmem:s11+$0x20];
	(erf) = vpow2.f32 v11  }
0x1d4: {  	v2 =	vld [tilespmem:s11+$0xFFFFFFE1];
	(erf) = vpow2.f32 v12  }
0x1d5: {  	v8 =	vld [tilespmem:s21+$0xFFFFFFC0]  }
0x1d6: {  	v9 =	vld [tilespmem:s21+$0x30];
	v5 =	vmul.f32 $1.442695020e+00, v5  }
0x1d7: {  	v10 =	vld [tilespmem:s21+$0xFFFFFFD0]  }
0x1d8: {  	v7 =	vld [tilespmem:s11+$0x21];
	(erf) = vpow2.f32 v5  }
0x1d9: {  	v13 =	vld [tilespmem:s21+$0xFFFFFFE0]  }
0x1da: {  	v15 =	vld [tilespmem:s21+$0xFFFFFFF0];
	v8 =	vmul.f32 $1.442695020e+00, v8  }
0x1db: {  	v16 =	vld [tilespmem:s11+$0x10];
	v5 =	vmul.f32 $1.442695020e+00, v9  }
0x1dc: {  	v14 =	vld [tilespmem:s11+$0x0];
	v11 =	vmul.f32 $1.442695020e+00, v10;
	(erf) = vpow2.f32 v8;
	v17 =	vpop (erf)  }
0x1dd: {  	v3 =	vld [tilespmem:s11+$0xFFFFFFE0];
	(erf) = vpow2.f32 v5;
	v18 =	vpop (erf)  }
0x1de: {  	v4 =	vld [tilespmem:s11+$0x31];
	(erf) = vpow2.f32 v11;
	(xrf2) =	vadd.scan.msk.f32 $0xffff, v18  }
0x1df: {  	v20 =	vmul.f32 $1.442695020e+00, v15;
	v15 =	vld [tilespmem:s11+$0xFFFFFFD1]  }
0x1e0: {  	v10 =	vld [tilespmem:s11+$0x11]  }
0x1e1: {  	v12 =	vld [tilespmem:s11+$0x1];
	v19 =	vpop (erf)  }
0x1e2: {  	vm0 =	vne.s32 v6, v7;
	v13 =	vmul.f32 $1.442695020e+00, v13;
	v9 =	vld [tilespmem:s11+$0x30];
	(xrf2) =	vadd.scan.msk.f32 $0xffff, v19  }
0x1e3: {  	vm5 =	vmor vm0, vm12;
	v8 =	vld [tilespmem:s11+$0xFFFFFFF1]  }
0x1e4: {  	v11 =	vld [tilespmem:s11+$0xFFFFFFF0];
	(erf) = vpow2.f32 v13  }
0x1e5: {  	v5 =	vld [tilespmem:s11+$0xFFFFFFC1];
	(erf) = vpow2.f32 v20;
	v18 =	vpop (erf);
	(xrf2) =	vadd.scan.msk.f32 $0xffff, v17  }
0x1e6: {  	vm4 =	vmand vm0, vm1;
	vm2 =	vne.s32 v3, v2;
	vm6 =	vne.s32 v16, v10;
	v13 =	vld [tilespmem:s11+$0xFFFFFFC0];
	v19 =	vpop (erf)  }
0x1e7: {  	s20 =	simm.s32 $0x0;
	s21 =	simm.s32 $0x2FB0;
	vm7 =	vmor vm6, vm12;
	vm8 =	vne.s32 v14, v12;
	vm3 =	vne.s32 v9, v4;
	v17 =	vld [tilespmem:s11+$0xFFFFFFD0];
	s11 =	simm.s32 $0x1060;
	v20 =	vpop (erf)  }
.LBB2_23:
0x1e8: {  	v21 =	vld [tilespmem:s21+$0x20];
	s20 =	sadd.s32 $0x8, s20;
	vm9 =	vmor vm8, vm12;
	(xrf2) =	vadd.scan.msk.f32 $0xffff, v20;
	v20, _, _ =	vpop (xrf2)  }
0x1e9: {  	vm0 =	vcmask $0x3F3C;
	p2 =	slt.u32 s20, $0xF0;
	vm12 =	vne.s32 v11, v8;
	[tilespmem:v6+s24+$0x0] =	vst.idx.add.f32.msk vm5, v20  }
0x1ea: {  	v22 =	vld [tilespmem:s21+$0xFFFFFFE1];
	vm5 =	vmor vm12, vm0  }
0x1eb: {  	vm11 =	vmand vm8, vm1;
	v25 =	vsub.f32 $0.0e+00, v20;
	v23 =	vld [tilespmem:s21+$0x21];
	vm13 =	vne.s32 v13, v5;
	(xrf2) =	vadd.scan.msk.f32 $0xffff, v19  }
0x1ec: {  	vm8 =	vcmask $0x3F3C;
	v19 =	vld [tilespmem:s11+$0x10];
	vm0 =	vne.s32 v17, v15;
	v20, _, _ =	vpop (xrf2)  }
0x1ed: {  	vm8 =	vmor vm13, vm8;
	[tilespmem:v7+s24+$0x0] =	vst.idx.add.f32.msk vm4, v25;
	v24 =	vpop (erf);
	v6 =	vmov v21;
	vm4 =	vcmask $0x3F3C  }
0x1ee: {  	vm10 =	vmand vm6, vm1;
	v21 =	vld [tilespmem:s21+$0xFFFFFFE0];
	vm4 =	vmor vm2, vm4;
	(xrf2) =	vadd.scan.msk.f32 $0xffff, v18;
	v18 =	vpop (erf)  }
0x1ef: {  	v25 =	vld [tilespmem:s11+$0xFFFFFFD0];
	v26, _, _ =	vpop (xrf2)  }
0x1f0: {  	vm6 =	vcmask $0x3F3C;
	[tilespmem:v16+s24+$0x0] =	vst.idx.add.f32.msk vm7, v20;
	v7 =	vmov v23  }
0x1f1: {  	vm14 =	vmor vm0, vm6;
	v16 =	vld [tilespmem:s11+$0x30];
	(xrf2) =	vadd.scan.msk.f32 $0xffff, v24  }
0x1f2: {  	vm0 =	vmand vm0, vm1;
	vm6 =	vcmask $0x3F3C;
	v23 =	vld [tilespmem:s11+$0xFFFFFFC0];
	v24, _, _ =	vpop (xrf2)  }
0x1f3: {  	vm15 =	vmor vm3, vm6;
	vm6 =	vmand vm12, vm1;
	v27 =	vld [tilespmem:s11+$0x0];
	v28 =	vsub.f32 $0.0e+00, v24  }
0x1f4: {  	vm12 =	vcmask $0x3F3C;
	[tilespmem:v14+s24+$0x0] =	vst.idx.add.f32.msk vm9, v26;
	v14 =	vsub.f32 $0.0e+00, v26;
	(xrf2) =	vadd.scan.msk.f32 $0xffff, v18  }
0x1f5: {  	vm7 =	vmand vm13, vm1;
	v18 =	vld [tilespmem:s11+$0x20];
	v26, _, _ =	vpop (xrf2)  }
0x1f6: {  	[tilespmem:v12+s24+$0x0] =	vst.idx.add.f32.msk vm11, v14  }
0x1f7: {  	v12 =	vmul.f32 $1.442695020e+00, v25;
	[tilespmem:v17+s24+$0x0] =	vst.idx.add.f32.msk vm14, v24  }
0x1f8: {  	v14 =	vmul.f32 $1.442695020e+00, v27;
	[tilespmem:v15+s24+$0x0] =	vst.idx.add.f32.msk vm0, v28;
	vm0 =	vmand vm2, vm1;
	v15, _, _ =	vpop (xrf2)  }
0x1f9: {  	v17 =	vsub.f32 $0.0e+00, v20;
	vm2 =	vmand vm3, vm1;
	[tilespmem:v9+s24+$0x0] =	vst.idx.add.f32.msk vm15, v26  }
0x1fa: {  	v9 =	vmul.f32 $1.442695020e+00, v19;
	v18 =	vmul.f32 $1.442695020e+00, v18;
	[tilespmem:v13+s24+$0x0] =	vst.idx.add.f32.msk vm8, v15;
	v13 =	vsub.f32 $0.0e+00, v26  }
0x1fb: {  	(erf) = vpow2.f32 v14;
	[tilespmem:v10+s24+$0x0] =	vst.idx.add.f32.msk vm10, v17;
	v10, _, _ =	vpop (xrf2)  }
0x1fc: {  	v15 =	vsub.f32 $0.0e+00, v15;
	v14 =	vld [tilespmem:s21+$0x31];
	(erf) = vpow2.f32 v18;
	v17 =	vsub.f32 $0.0e+00, v10  }
0x1fd: {  	[tilespmem:v3+s24+$0x0] =	vst.idx.add.f32.msk vm4, v10;
	v3 =	vmov v21  }
0x1fe: {  	[tilespmem:v2+s24+$0x0] =	vst.idx.add.f32.msk vm0, v17;
	v10, _, _ =	vpop (xrf2);
	v2 =	vmov v22  }
0x1ff: {  	v17 =	vsub.f32 $0.0e+00, v10;
	[tilespmem:v4+s24+$0x0] =	vst.idx.add.f32.msk vm2, v13  }
0x200: {  	v13 =	vmul.f32 $1.442695020e+00, v23;
	(erf) = vpow2.f32 v9;
	[tilespmem:v11+s24+$0x0] =	vst.idx.add.f32.msk vm5, v10  }
0x201: {  	[tilespmem:v8+s24+$0x0] =	vst.idx.add.f32.msk vm6, v17;
	v4 =	vmov v14  }
0x202: {  	[tilespmem:v5+s24+$0x0] =	vst.idx.add.f32.msk vm7, v15  }
0x203: {  	v5 =	vmul.f32 $1.442695020e+00, v16;
	v9 =	vld [tilespmem:s21+$0x30];
	(erf) = vpow2.f32 v13  }
0x204: {  	v8 =	vld [tilespmem:s11+$0xFFFFFFE0];
	v13 =	vpop (erf)  }
0x205: {  	vm0 =	vne.s32 v6, v7;
	v11 =	vld [tilespmem:s11+$0xFFFFFFF0];
	v14 =	vpop (erf);
	(erf) = vpow2.f32 v5  }
0x206: {  	vm2 =	vne.s32 v3, v2;
	vm5 =	vmor vm0, vm12;
	v10 =	vld [tilespmem:s21+$0x11];
	(erf) = vpow2.f32 v12;
	(xrf2) =	vadd.scan.msk.f32 $0xffff, v14  }
0x207: {  	v16 =	vld [tilespmem:s21+$0x10]  }
0x208: {  	vm4 =	vmand vm0, vm1;
	v5 =	vld [tilespmem:s21+$0xFFFFFFC1];
	vm3 =	vne.s32 v9, v4  }
0x209: {  	v15 =	vmul.f32 $1.442695020e+00, v8;
	v12 =	vld [tilespmem:s21+$0x1];
	v8 =	vpop (erf)  }
0x20a: {  	v17 =	vmul.f32 $1.442695020e+00, v11;
	v14 =	vld [tilespmem:s21+$0x0];
	(xrf2) =	vadd.scan.msk.f32 $0xffff, v8  }
.Ltmp15:
0x20b: {  	v8 =	vld [tilespmem:s21+$0xFFFFFFF1];
	(pc) =	sbr.rel @p2 .LBB2_23-.Ltmp15, $4  }
0x20c: {  	v11 =	vld [tilespmem:s21+$0xFFFFFFF0];
	vm6 =	vne.s32 v16, v10;
	v18 =	vpop (erf);
	(erf) = vpow2.f32 v15  }
0x20d: {  	v15 =	vld [tilespmem:s21+$0xFFFFFFD1];
	vm7 =	vmor vm6, vm12;
	(erf) = vpow2.f32 v17;
	(xrf2) =	vadd.scan.msk.f32 $0xffff, v13  }
0x20e: {  	v13 =	vld [tilespmem:s21+$0xFFFFFFC0];
	v19 =	vpop (erf)  }
0x20f: {  	s11 =	sadd.s32 $0x80, s11;
	v17 =	vld [tilespmem:s21+$0xFFFFFFD0];
	vm8 =	vne.s32 v14, v12;
	s21 =	sadd.s32 $0x80, s21;
	v20 =	vpop (erf)  }
0x210: {  	_ = 	snop  }
0x211: {  	(xrf2) =	vadd.scan.msk.f32 $0xffff, v20  }
0x212: {  	(xrf2) =	vadd.scan.msk.f32 $0xffff, v19  }
0x213: {  	(xrf2) =	vadd.scan.msk.f32 $0xffff, v18  }
0x214: {  	v50, _, _ =	vpop (xrf2);
	vm6 =	vmand vm6, vm1  }
0x215: {  	vm0 =	vmor vm8, vm12;
	v49 =	vpop (erf)  }
0x216: {  	vm8 =	vmand vm8, vm1;
	v52 =	vsub.f32 $0.0e+00, v50;
	vm9 =	vne.s32 v17, v15;
	(xrf2) =	vadd.scan.msk.f32 $0xffff, v49  }
0x217: {  	[tilespmem:v6+s24+$0x0] =	vst.idx.add.f32.msk vm5, v50;
	v51, _, _ =	vpop (xrf2);
	vm10 =	vmor vm9, vm12;
	vm5 =	vmand vm9, vm1;
	vm9 =	vne.s32 v13, v5  }
0x218: {  	[tilespmem:v7+s24+$0x0] =	vst.idx.add.f32.msk vm4, v52;
	v60 =	vsub.f32 $0.0e+00, v51;
	v53 =	vpop (erf);
	vm11 =	vmor vm9, vm12  }
0x219: {  	[tilespmem:v16+s24+$0x0] =	vst.idx.add.f32.msk vm7, v51;
	v54, _, _ =	vpop (xrf2);
	(xrf2) =	vadd.scan.msk.f32 $0xffff, v53  }
0x21a: {  	vm4 =	vmor vm3, vm12;
	[tilespmem:v10+s24+$0x0] =	vst.idx.add.f32.msk vm6, v60;
	v55 =	vsub.f32 $0.0e+00, v54  }
0x21b: {  	vm3 =	vmand vm3, vm1;
	[tilespmem:v14+s24+$0x0] =	vst.idx.add.f32.msk vm0, v54;
	v56, _, _ =	vpop (xrf2)  }
0x21c: {  	vm0 =	vmor vm2, vm12;
	[tilespmem:v12+s24+$0x0] =	vst.idx.add.f32.msk vm8, v55;
	v58, _, _ =	vpop (xrf2)  }
0x21d: {  	vm2 =	vmand vm2, vm1;
	v57 =	vsub.f32 $0.0e+00, v56;
	[tilespmem:v17+s24+$0x0] =	vst.idx.add.f32.msk vm10, v56;
	v59, _, _ =	vpop (xrf2)  }
0x21e: {  	vm10 =	vne.s32 v11, v8;
	[tilespmem:v13+s24+$0x0] =	vst.idx.add.f32.msk vm11, v59;
	vm11 =	vmand vm9, vm1  }
0x21f: {  	v6 =	vsub.f32 $0.0e+00, v58;
	[tilespmem:v15+s24+$0x0] =	vst.idx.add.f32.msk vm5, v57;
	vm5 =	vmor vm10, vm12  }
0x220: {  	[tilespmem:v9+s24+$0x0] =	vst.idx.add.f32.msk vm4, v58;
	vm10 =	vmand vm10, vm1;
	v61, _, _ =	vpop (xrf2)  }
0x221: {  	[tilespmem:v4+s24+$0x0] =	vst.idx.add.f32.msk vm3, v6;
	v62 =	vsub.f32 $0.0e+00, v61  }
0x222: {  	v63 =	vsub.f32 $0.0e+00, v59;
	[tilespmem:v3+s24+$0x0] =	vst.idx.add.f32.msk vm0, v61  }
0x223: {  	[tilespmem:v2+s24+$0x0] =	vst.idx.add.f32.msk vm2, v62;
	v2, _, _ =	vpop (xrf2)  }
0x224: {  	[tilespmem:v5+s24+$0x0] =	vst.idx.add.f32.msk vm11, v63;
	v3 =	vsub.f32 $0.0e+00, v2  }
0x225: {  	[tilespmem:v11+s24+$0x0] =	vst.idx.add.f32.msk vm5, v2  }
0x226: {  	s11 =	simm.s32 $0x0;
	[tilespmem:v8+s24+$0x0] =	vst.idx.add.f32.msk vm10, v3  }
.LBB2_25:
0x227: {  	s20 =	sshra.s32 s11, $0x2  }
0x228: {  	v2 =	vld [tilespmem:s20+$0x1F20];
	_ =	sdelay $0x4  }
0x229: {  	v2 =	vmul.f32 $1.442695020e+00, v2;
	_ =	sdelay $0x1  }
0x22a: {  	(erf) = vpow2.f32 v2;
	_ =	sdelay $0x8  }
0x22b: {  	v3 =	vld [tilespmem:s20+$0x3E70];
	v2 =	vpop (erf)  }
0x22c: {  	(xrf2) =	vadd.scan.msk.f32 $0xffff, v2;
	v2 =	vld [tilespmem:s20+$0x3E71];
	_ =	sdelay $0x4  }
0x22d: {  	vm0 =	vne.s32 v3, v2  }
0x22e: {  	vm2 =	vmor vm0, vm12  }
0x22f: {  	vm0 =	vmand vm0, vm1  }
0x230: {  	p2 =	sne.s32 s11, $0x40  }
.Ltmp16:
0x231: {  	_ = 	snop;
	(pc) =	sbr.rel @p2 .LBB2_25-.Ltmp16, $4  }
0x232: {  	v4, _, _ =	vpop (xrf2)  }
0x233: {  	v5 =	vsub.f32 $0.0e+00, v4  }
0x234: {  	[tilespmem:v3+s24+$0x0] =	vst.idx.add.f32.msk vm2, v4  }
0x235: {  	s11 =	sadd.s32 $0x40, s11;
	[tilespmem:v2+s24+$0x0] =	vst.idx.add.f32.msk vm0, v5  }
.Ltmp17:
0x236: {  	(pc) =	sbr.rel @p1 .LBB2_28-.Ltmp17, $1  }
0x237: {  	_ =	sdelay $0x3  }
0x238: {  	s11 =	smul.u32 $0x1F40, s18;
	_ =	sdelay $0x1  }
0x239: {  	s11 =	sadd.s32 s11, s10  }
.Ltmp18:
0x23a: {  	s11 =	sshrl.u32 s11, $0x3;
	(pc) =	sbr.rel .LBB2_18-.Ltmp18, $4  }
0x23b: {  	s20 =	sadd.s32 s3, s11  }
0x23c: {  	[tilespmem:s22], [sflag:$0x2] =	stream.linear.gather [hbm4b:s20+s7], $0xFA0, $0x38;
	[tilespmem:$0x1DF50] =	vst v63  }
0x23d: {  	s18 =	sadd.s32 $0x1, s18;
	s11 =	sadd.s32 s5, s11  }
0x23e: {  	[tilespmem:s23], [sflag:$0x2] =	stream.linear.gather [hbm4b:s11+s7], $0xFA0, $0x38;
	[tilespmem:$0x1DF50] =	vst v63  }
.LBB2_28:
0x23f: {  	p1 =	sgt.u32 s4, s2  }
.Ltmp19:
0x240: {  	_ = 	snop;
	(pc) =	sbr.rel @p1 .LBB2_32-.Ltmp19, $2  }
0x241: {  	_ =	sdelay $0x1  }
0x242: {  	[bflag:$0x0] =	sbarrier.arrive $0xFFFF;
	_ =	sdelay $0x1  }
0x243: {  	s2 =	ssub.s32 s2, s4  }
0x244: {  	s21 =	sadd.s32 $0x1, s2  }
0x245: {  	s11 =	sshll.u32 s4, $0xD;
	p1 =	sne.s32 s21, $0x1  }
.Ltmp20:
0x246: {  	v2 =	vor.u32 s31, v1;
	s20 =	sshra.s32 s11, $0x2;
	(pc) =	sbr.rel @!p1 .LBB2_31-.Ltmp20, $4  }
0x247: {  	[tilespmem:$0x1C6C0] =	vst v2;
	s2 =	sadd.s32 $0x3EA0, s20  }
0x248: {  	[spmem:s6] =	stream.indirect.scatter.add.f32 [tilespmem:s2], [sflag:$0x3], $0x80, s29, s28, $0xb8;
	[tilespmem:$0x1DF50] =	vst v63  }
0x249: {  	_ =	swait.ge [sflag:s19], $0x800  }
0x24a: {  	s11 =	sadd.s32 $0x10, s31;
	s4 =	sadd.s32 $0xFFFFFFFF, s21;
	[sflag:s19] =	ssyncset.done $0x0  }
.LBB2_30:
0x24b: {  	v2 =	vor.u32 s11, v1;
	[sflag:s19] =	ssyncadd.s32 $0xFFFFF800;
	p1 =	sne.s32 s4, $0x1  }
.Ltmp21:
0x24c: {  	s2 =	sadd.s32 $0x800, s2;
	[tilespmem:$0x1C6C0] =	vst v2;
	(pc) =	sbr.rel @p1 .LBB2_30-.Ltmp21, $4  }
0x24d: {  	[spmem:s6] =	stream.indirect.scatter.add.f32 [tilespmem:s2], [sflag:$0x3], $0x80, s29, s28, $0xb8;
	[tilespmem:$0x1DF50] =	vst v63  }
0x24e: {  	s4 =	sadd.s32 $0xFFFFFFFF, s4  }
0x24f: {  	_ =	swait.ge [sflag:s19], $0x800  }
0x250: {  	s11 =	sadd.s32 $0x10, s11;
	[sflag:s19] =	ssyncset.done $0x0  }
.Ltmp22:
0x251: {  	_ = 	snop;
	(pc) =	sbr.rel .LBB2_31-.Ltmp22, $1  }
0x252: {  	_ =	sdelay $0x3  }
.LBB2_33:
0x253: {  	_ =	sfence.sel $0x180000  }
0x254: {  	[bflag:$0x0] =	sbarrier.arrive $0xFFFF  }
0x255: {  	_ =	strace $0x90000047  }
0x256: {  	s0 =	stileid.u32;
	[bflag:$0x2] =	sbarrier.arrive $0xFFFF  }
0x257: {  	p0 =	sne.s32 s0, $0x0;
	s0 =	rddreg [dreg:$0x6]  }
0x258: {  	s0 =	sadd.s32 @!p0 $0x100000, s0  }
0x259: {  	[sflag:s0] =	ssyncadd.tile.s32 @!p0 $0x1;
	_ =	shalt  }
.Lfunc_end2:
_tile_overlayer_lowered:
.L_overlay_start_2:
0x25a: {  	(tag) =	ssettag $0x2  }
0x25b: {  	s0 =	rddreg [dreg:$0x0];
	s2 =	stileid.u32  }
0x25c: {  	s1 =	rddreg [dreg:$0x1];
	p0 =	sne.s32 s2, $0x0  }
0x25d: {  	s3 =	rddreg [dreg:$0x2];
	[bflag:$0x3] =	sbarrier.arrive $0xFFFF;
	s2 =	simm.s32 @!p0 $0x1C03  }
0x25e: {  	[timem:s3], [sflag:s2] =	dma.local @!p0 [hbm:s0], s1  }
0x25f: {  	s0 =	simm.s32 @!p0 $0x3  }
0x260: {  	_ =	swait.ge @!p0 [sflag:s0], s1  }
0x261: {  	s1 =	ssub.s32 @!p0 $0x0, s1;
	[sflag:s0] =	ssyncset.done @!p0 $0x0  }
0x262: {  	[sflag:s0] =	ssyncadd.s32 @!p0 s1  }
0x263: {  	[bflag:$0x3] =	sbarrier.arrive $0xFFFF  }
0x264: {  	_ =	shalt  }

</sc_bundles>
